<compile_context>
chip_gen: v7x
topology: tpu7x:2x2x1
jax: 0.10.2.dev20260603
libtpu: 0.0.44.dev20260713+nightly
codegen_flags: <defaults>
</compile_context>

<pallas_src>
import functools

import jax
import jax.numpy as jnp
from jax import lax
from jax.experimental import pallas as pl
from jax.experimental.pallas import tpu as pltpu
from jax.experimental.pallas import tpu_sc as plsc

NF = 9
H = 128
P = 4096
B = 1024
T = 50

_PBLK = 512
_BBLK = 256
_UNROLL = 5


def _gelu(x):
    return x * (jax.lax.erf(x / 2.0 ** 0.5) + 1) / 2


def _vsn_kernel(x_ref, w1_ref, b1_ref, w2_ref, b2_ref, out_ref):
    x = x_ref[...]
    r = jax.lax.broadcasted_iota(jnp.int32, (T * NF, NF), 0)
    f = jax.lax.broadcasted_iota(jnp.int32, (T * NF, NF), 1)
    sel = (r % NF == f).astype(jnp.float32)
    xm = jnp.dot(x, sel, preferred_element_type=jnp.float32,
                 precision=jax.lax.Precision.HIGHEST) / T
    h = _gelu(jnp.dot(xm, w1_ref[...], preferred_element_type=jnp.float32)
              + b1_ref[...])
    s = jnp.dot(h, w2_ref[...], preferred_element_type=jnp.float32) + b2_ref[...]
    s = s - jnp.max(s, axis=-1, keepdims=True)
    e = jnp.exp(s)
    w = e / jnp.sum(e, axis=-1, keepdims=True)
    wrep = jnp.concatenate([w] * T, axis=1)
    out_ref[...] = x * wrep


def _lstm_kernel(xw_ref, pw_ref, pb_ref, wi1_ref, bi1_ref, wh1_ref, bh1_ref,
                 wi2_ref, bi2_ref, wh2_ref, bh2_ref,
                 g_ref, b_ref, te_ref, h1, c1, h2, c2):
    t = pl.program_id(0)

    @pl.when(t == 0)
    def _():
        z = jnp.zeros((B, H), jnp.float32)
        h1[...] = z
        c1[...] = z
        h2[...] = z
        c2[...] = z

    def cell(inp, h, c, wi, bi, wh, bh):
        gates = (jnp.dot(inp, wi, preferred_element_type=jnp.float32) + bi
                 + jnp.dot(h, wh, preferred_element_type=jnp.float32) + bh)
        gi = gates[:, 0 * H:1 * H]
        gf = gates[:, 1 * H:2 * H]
        gg = gates[:, 2 * H:3 * H]
        go = gates[:, 3 * H:4 * H]
        cn = jax.nn.sigmoid(gf) * c + jax.nn.sigmoid(gi) * jnp.tanh(gg)
        hn = jax.nn.sigmoid(go) * jnp.tanh(cn)
        return hn, cn

    h1v, c1v, h2v, c2v = h1[...], c1[...], h2[...], c2[...]
    for u in range(_UNROLL):
        xt = xw_ref[u]
        i0 = (jnp.dot(xt, pw_ref[...], preferred_element_type=jnp.float32)
              + pb_ref[...])
        h1v, c1v = cell(i0, h1v, c1v, wi1_ref[...], bi1_ref[...],
                        wh1_ref[...], bh1_ref[...])
        h2v, c2v = cell(h1v, h2v, c2v, wi2_ref[...], bi2_ref[...],
                        wh2_ref[...], bh2_ref[...])
    h1[...] = h1v
    c1[...] = c1v
    h2[...] = h2v
    c2[...] = c2v

    @pl.when(t == T // _UNROLL - 1)
    def _():
        m = jnp.mean(h2v, axis=-1, keepdims=True)
        v = jnp.mean((h2v - m) ** 2, axis=-1, keepdims=True)
        te_ref[...] = (h2v - m) / jnp.sqrt(v + 1e-5) * g_ref[...] + b_ref[...]


def _scatter_kernel(te_ref, sku_ref, w1_ref, b1_ref, pe_ref, mw_ref):
    blk = pl.program_id(0)
    p0 = blk * _PBLK
    sku = sku_ref[...]
    skub = jnp.broadcast_to(sku, (_PBLK, B))
    prow = p0 + jax.lax.broadcasted_iota(jnp.int32, (_PBLK, B), 0)
    match = skub == prow
    lane = jax.lax.broadcasted_iota(jnp.int32, (_PBLK, B), 1)
    win = jnp.max(jnp.where(match, lane, -1), axis=1, keepdims=True)
    onehot = (match & (lane == win)).astype(jnp.float32)
    pe = jnp.dot(onehot, te_ref[...], preferred_element_type=jnp.float32,
                 precision=jax.lax.Precision.HIGHEST)
    pe_ref[...] = pe
    mw_ref[...] = jnp.dot(pe, w1_ref[...],
                          preferred_element_type=jnp.float32) + b1_ref[...]


def _gnn1_kernel(adj_ref, mw_ref, pe_ref, g_ref, b_ref, w2_ref, b2_ref,
                 g1_ref, z_ref):
    acc = jnp.dot(adj_ref[...], mw_ref[...], preferred_element_type=jnp.float32)
    u = pe_ref[...] + _gelu(acc)
    m = jnp.mean(u, axis=-1, keepdims=True)
    v = jnp.mean((u - m) ** 2, axis=-1, keepdims=True)
    g1 = (u - m) / jnp.sqrt(v + 1e-5) * g_ref[...] + b_ref[...]
    g1_ref[...] = g1
    z_ref[...] = jnp.dot(g1, w2_ref[...],
                         preferred_element_type=jnp.float32) + b2_ref[...]


_NC = 2
_NS = 16
_NW = _NC * _NS
_BPW = B // _NW
_CH = 16

@functools.cache
def _sc_gathers():
    mesh = plsc.VectorSubcoreMesh(core_axis_name="c", subcore_axis_name="s",
                                  num_cores=_NC, num_subcores=_NS)

    @functools.partial(
        pl.kernel,
        out_type=jax.ShapeDtypeStruct((B, P), jnp.float32),
        mesh=mesh,
        scratch_types=[
            pltpu.VMEM((_CH,), jnp.int32),
            pltpu.VMEM((_CH, P), jnp.float32),
            pltpu.SemaphoreType.DMA,
        ],
    )
    def sc_gather_adj(sku_hbm, adj_hbm, out_hbm, idx_v, rows_v, sem):
        wid = lax.axis_index("s") * _NC + lax.axis_index("c")
        base = wid * _BPW
        for ci in range(_BPW // _CH):
            off = base + ci * _CH
            pltpu.sync_copy(sku_hbm.at[pl.ds(off, _CH)], idx_v)
            pltpu.async_copy(adj_hbm.at[idx_v], rows_v, sem).wait()
            pltpu.sync_copy(rows_v, out_hbm.at[pl.ds(off, _CH)])

    @functools.partial(
        pl.kernel,
        out_type=jax.ShapeDtypeStruct((B, H), jnp.float32),
        mesh=mesh,
        scratch_types=[
            pltpu.VMEM((_BPW,), jnp.int32),
            pltpu.VMEM((_BPW, H), jnp.float32),
            pltpu.SemaphoreType.DMA,
        ],
    )
    def sc_gather_g1(sku_hbm, g1_hbm, out_hbm, idx_v, rows_v, sem):
        wid = lax.axis_index("s") * _NC + lax.axis_index("c")
        base = wid * _BPW
        pltpu.sync_copy(sku_hbm.at[pl.ds(base, _BPW)], idx_v)
        pltpu.async_copy(g1_hbm.at[idx_v], rows_v, sem).wait()
        pltpu.sync_copy(rows_v, out_hbm.at[pl.ds(base, _BPW)])

    return sc_gather_adj, sc_gather_g1


def _head_kernel(r_ref, z_ref, g1r_ref, g_ref, b_ref, w1_ref, b1_ref,
                 w2_ref, b2_ref, out_ref):
    acc = jnp.dot(r_ref[...], z_ref[...], preferred_element_type=jnp.float32)
    u = g1r_ref[...] + _gelu(acc)
    m = jnp.mean(u, axis=-1, keepdims=True)
    v = jnp.mean((u - m) ** 2, axis=-1, keepdims=True)
    u = (u - m) / jnp.sqrt(v + 1e-5) * g_ref[...] + b_ref[...]
    hid = _gelu(jnp.dot(u, w1_ref[...], preferred_element_type=jnp.float32)
                + b1_ref[...])
    o = jnp.dot(hid, w2_ref[...], preferred_element_type=jnp.float32) + b2_ref[...]
    out_ref[...] = o


def _full(shape):
    return pl.BlockSpec(shape, lambda *_: tuple(0 for _ in shape))


@jax.jit
def kernel(x, sku_indices, adj, params):
    sku2d = sku_indices.reshape(1, B).astype(jnp.int32)
    sku1d = sku_indices.astype(jnp.int32)
    sc_gather_adj, sc_gather_g1 = _sc_gathers()
    r_rows = sc_gather_adj(sku1d, adj)

    def row(v):
        return v.reshape(1, -1)

    x450 = x.reshape(B, T * NF)
    xw = pl.pallas_call(
        _vsn_kernel,
        out_shape=jax.ShapeDtypeStruct((B, T * NF), jnp.float32),
    )(x450, params['vs_w1'], row(params['vs_b1']),
      params['vs_w2'], row(params['vs_b2']))

    xwT = xw.reshape(B, T, NF).transpose(1, 0, 2)

    lp1, lp2 = params['lstm']

    te = pl.pallas_call(
        _lstm_kernel,
        grid=(T // _UNROLL,),
        in_specs=[
            pl.BlockSpec((_UNROLL, B, NF), lambda t: (t, 0, 0)),
            _full((NF, H)), _full((1, H)),
            _full((H, 4 * H)), _full((1, 4 * H)),
            _full((H, 4 * H)), _full((1, 4 * H)),
            _full((H, 4 * H)), _full((1, 4 * H)),
            _full((H, 4 * H)), _full((1, 4 * H)),
            _full((1, H)), _full((1, H)),
        ],
        out_specs=_full((B, H)),
        out_shape=jax.ShapeDtypeStruct((B, H), jnp.float32),
        scratch_shapes=[pltpu.VMEM((B, H), jnp.float32) for _ in range(4)],
        compiler_params=pltpu.CompilerParams(
            dimension_semantics=("arbitrary",)),
    )(xwT, params['proj_w'], row(params['proj_b']),
      lp1['wih'].T, row(lp1['bih']), lp1['whh'].T, row(lp1['bhh']),
      lp2['wih'].T, row(lp2['bih']), lp2['whh'].T, row(lp2['bhh']),
      row(params['ln_g']), row(params['ln_b']))

    gnn1, gnn2 = params['gnn']
    pe, mw = pl.pallas_call(
        _scatter_kernel,
        grid=(P // _PBLK,),
        in_specs=[_full((B, H)), _full((1, B)),
                  _full((H, H)), _full((1, H))],
        out_specs=[pl.BlockSpec((_PBLK, H), lambda i: (i, 0)),
                   pl.BlockSpec((_PBLK, H), lambda i: (i, 0))],
        out_shape=[jax.ShapeDtypeStruct((P, H), jnp.float32),
                   jax.ShapeDtypeStruct((P, H), jnp.float32)],
        compiler_params=pltpu.CompilerParams(
            dimension_semantics=("arbitrary",)),
    )(te, sku2d, gnn1['w'], row(gnn1['b']))

    g1, z = pl.pallas_call(
        _gnn1_kernel,
        grid=(P // _PBLK,),
        in_specs=[
            pl.BlockSpec((_PBLK, P), lambda i: (i, 0)),
            _full((P, H)),
            pl.BlockSpec((_PBLK, H), lambda i: (i, 0)),
            _full((1, H)), _full((1, H)),
            _full((H, H)), _full((1, H)),
        ],
        out_specs=[pl.BlockSpec((_PBLK, H), lambda i: (i, 0)),
                   pl.BlockSpec((_PBLK, H), lambda i: (i, 0))],
        out_shape=[jax.ShapeDtypeStruct((P, H), jnp.float32),
                   jax.ShapeDtypeStruct((P, H), jnp.float32)],
        compiler_params=pltpu.CompilerParams(
            dimension_semantics=("arbitrary",)),
    )(adj, mw, pe, row(gnn1['g']), row(gnn1['bn']),
      gnn2['w'], row(gnn2['b']))

    g1_rows = sc_gather_g1(sku1d, g1)

    out = pl.pallas_call(
        _head_kernel,
        grid=(B // _BBLK,),
        in_specs=[
            pl.BlockSpec((_BBLK, P), lambda i: (i, 0)),
            _full((P, H)),
            pl.BlockSpec((_BBLK, H), lambda i: (i, 0)),
            _full((1, H)), _full((1, H)),
            _full((H, H // 2)), _full((1, H // 2)),
            _full((H // 2, 1)), _full((1, 1)),
        ],
        out_specs=pl.BlockSpec((_BBLK, 1), lambda i: (i, 0)),
        out_shape=jax.ShapeDtypeStruct((B, 1), jnp.float32),
        compiler_params=pltpu.CompilerParams(
            dimension_semantics=("arbitrary",)),
    )(r_rows, z, g1_rows, row(gnn2['g']), row(gnn2['bn']),
      params['out_w1'], row(params['out_b1']),
      params['out_w2'], params['out_b2'].reshape(1, 1))

    return out.reshape(B)

# --- scband reference (transcript-rebuilt; emitter-appended) ---
"""Pipeline reference for scband-tftwith-gnn-26757646254606 (READ-ONLY COPY).

The authoritative reference and input builder live on the scoring server;
editing this copy changes nothing except your own understanding.
"""

import jax, jax.numpy as jnp
import numpy as np

NUM_FEATURES = 9
HIDDEN = 128
LSTM_LAYERS = 2
GNN_LAYERS = 2
NUM_PRODUCTS = 4096
BATCH = 1024
SEQ = 50


def _init_params(key):
    ks = jax.random.split(key, 16)

    def lin(k, i, o):
        return 0.05 * jax.random.normal(k, (i, o), jnp.float32), jnp.zeros((o,), jnp.float32)

    p = {}
    p['vs_w1'], p['vs_b1'] = lin(ks[0], NUM_FEATURES, HIDDEN)
    p['vs_w2'], p['vs_b2'] = lin(ks[1], HIDDEN, NUM_FEATURES)
    p['proj_w'], p['proj_b'] = lin(ks[2], NUM_FEATURES, HIDDEN)
    lstm = []
    for l in range(LSTM_LAYERS):
        k1, k2 = jax.random.split(ks[3 + l])
        lstm.append({'wih': 0.05 * jax.random.normal(k1, (4 * HIDDEN, HIDDEN), jnp.float32),
                     'whh': 0.05 * jax.random.normal(k2, (4 * HIDDEN, HIDDEN), jnp.float32),
                     'bih': jnp.zeros((4 * HIDDEN,), jnp.float32),
                     'bhh': jnp.zeros((4 * HIDDEN,), jnp.float32)})
    p['lstm'] = lstm
    p['ln_g'] = jnp.ones((HIDDEN,), jnp.float32)
    p['ln_b'] = jnp.zeros((HIDDEN,), jnp.float32)
    gnn = []
    for l in range(GNN_LAYERS):
        w, b = lin(ks[6 + l], HIDDEN, HIDDEN)
        gnn.append({'w': w, 'b': b, 'g': jnp.ones((HIDDEN,), jnp.float32), 'bn': jnp.zeros((HIDDEN,), jnp.float32)})
    p['gnn'] = gnn
    p['out_w1'], p['out_b1'] = lin(ks[10], HIDDEN, HIDDEN // 2)
    p['out_w2'], p['out_b2'] = lin(ks[11], HIDDEN // 2, 1)
    return p


def _layer_norm(x, g, b):
    m = x.mean(-1, keepdims=True)
    v = ((x - m) ** 2).mean(-1, keepdims=True)
    return (x - m) / jnp.sqrt(v + 1e-5) * g + b


def _lstm_layer(xs, lp):
    B = xs.shape[0]
    H = lp['whh'].shape[1]

    def step(carry, xt):
        h, c = carry
        gates = xt @ lp['wih'].T + lp['bih'] + h @ lp['whh'].T + lp['bhh']
        i, f, g, o = jnp.split(gates, 4, axis=-1)
        c = jax.nn.sigmoid(f) * c + jax.nn.sigmoid(i) * jnp.tanh(g)
        h = jax.nn.sigmoid(o) * jnp.tanh(c)
        return (h, c), h

    init = (jnp.zeros((B, H), xs.dtype), jnp.zeros((B, H), xs.dtype))
    (_, _), ys = jax.lax.scan(step, init, jnp.swapaxes(xs, 0, 1))
    return jnp.swapaxes(ys, 0, 1)


def _forward(x, adj, params, sku_indices):
    # Variable selection network
    xm = x.mean(axis=1)
    w = jax.nn.softmax(
        jax.nn.gelu(xm @ params['vs_w1'] + params['vs_b1'], approximate=False) @ params['vs_w2'] + params['vs_b2'],
        axis=-1)
    x = x * w[:, None, :]
    # Temporal encoder (input proj + 2-layer LSTM + layer norm on last step)
    h = x @ params['proj_w'] + params['proj_b']
    for lp in params['lstm']:
        h = _lstm_layer(h, lp)
    te = _layer_norm(h[:, -1, :], params['ln_g'], params['ln_b'])
    # Scatter temporal embeddings into product memory (index_copy_)
    valid = sku_indices >= 0
    safe = jnp.where(valid, sku_indices, 0)
    drop_idx = jnp.where(valid, sku_indices, NUM_PRODUCTS)
    pe = jnp.zeros((NUM_PRODUCTS, HIDDEN), dtype=te.dtype)
    pe = pe.at[drop_idx].set(te, mode='drop')
    # GNN enrichment over product graph (residual message passing + layer norm)
    g = pe
    for lp in params['gnn']:
        g = _layer_norm(g + jax.nn.gelu(adj @ (g @ lp['w'] + lp['b']), approximate=False), lp['g'], lp['bn'])
    # Gather enriched embeddings back for valid rows
    enriched = g[safe]
    te = jnp.where(valid[:, None], enriched, te)
    # Output head
    hidden = jax.nn.gelu(te @ params['out_w1'] + params['out_b1'], approximate=False)
    out = hidden @ params['out_w2'] + params['out_b2']
    return out.squeeze(-1)


def setup_inputs(seed: int = 0) -> dict:
    key = jax.random.key(seed)
    k1, k2, k3, k4 = jax.random.split(key, 4)
    x = jax.random.normal(k1, (BATCH, SEQ, NUM_FEATURES), jnp.float32)
    sku_indices = jax.random.randint(k2, (BATCH,), 0, NUM_PRODUCTS)
    adj = jax.random.uniform(k3, (NUM_PRODUCTS, NUM_PRODUCTS), jnp.float32)
    params = _init_params(k4)
    return {'x': x, 'sku_indices': sku_indices, 'adj': adj, 'params': params}


def reference(x, sku_indices, adj, params):
    return _forward(x, adj, params, sku_indices)

if __name__ == "__main__":
    import jax
    _d = setup_inputs()
    print(jax.jit(kernel)(*tuple(_d.values())))

</pallas_src>

<mosaic_0001>
#map = affine_map<(d0, d1) -> (0)>
#map1 = affine_map<(d0, d1) -> (0, 0)>
module attributes {stable_mosaic.version = 14 : i64} {
  func.func @sc_gather_g1(%arg0: i32, %arg1: i32, %arg2: memref<1024xi32, #tpu.memory_space<hbm>>, %arg3: memref<4096x128xf32, #tpu.memory_space<hbm>>, %arg4: memref<1024x128xf32, #tpu.memory_space<hbm>>, %arg5: memref<32xi32, #tpu.memory_space<vmem>>, %arg6: memref<32x128xf32, #tpu.memory_space<vmem>>, %arg7: memref<!tpu.dma_semaphore, #tpu.memory_space<semaphore_mem>>) attributes {dimension_semantics = [#tpu.dimension_semantics<core_parallel>, #tpu.dimension_semantics<subcore_parallel>], iteration_bounds = array<i64: 2, 16>, scalar_prefetch = 0 : i64, scratch_operands = 3 : i64, tpu.core_type = #tpu.core_type<sc_vector_subcore>, window_params = [{transform_indices = #map}, {transform_indices = #map1}, {transform_indices = #map1}]} {
    %mul3A = arith.constant 2 : i32
    %mul3A_0 = arith.muli %arg1, %mul3A : i32
    %add3A = arith.addi %mul3A_0, %arg0 : i32
    %mul3A_1 = arith.constant 32 : i32
    %mul3A_2 = arith.muli %add3A, %mul3A_1 : i32
    "tpu.region"() ({
      %run_scoped3A = tpu.sem_alloc : memref<!tpu.dma_semaphore, #tpu.memory_space<semaphore_mem>>
      %dma_start3A_7 = tpu.memref_slice %arg2[%mul3A_2] : memref<1024xi32, #tpu.memory_space<hbm>> -> memref<32xi32, #tpu.memory_space<hbm>>
      %dma_start3A_8 = tpu.memref_slice %arg2[%mul3A_2] : memref<1024xi32, #tpu.memory_space<hbm>> -> memref<32xi32, #tpu.memory_space<hbm>>
      tpu.enqueue_dma source(%dma_start3A_8 : memref<32xi32, #tpu.memory_space<hbm>>) target(%arg5 : memref<32xi32, #tpu.memory_space<vmem>>) target_semaphore(%run_scoped3A : memref<!tpu.dma_semaphore, #tpu.memory_space<semaphore_mem>>)
      %dma_wait3A_9 = tpu.memref_slice %arg2[%mul3A_2] : memref<1024xi32, #tpu.memory_space<hbm>> -> memref<32xi32, #tpu.memory_space<hbm>>
      %dma_wait3A_10 = tpu.memref_slice %arg2[%mul3A_2] : memref<1024xi32, #tpu.memory_space<hbm>> -> memref<32xi32, #tpu.memory_space<hbm>>
      tpu.wait_dma2 semaphore(%run_scoped3A : memref<!tpu.dma_semaphore, #tpu.memory_space<semaphore_mem>>) src(%dma_wait3A_10 : memref<32xi32, #tpu.memory_space<hbm>>) dst(%arg5 : memref<32xi32, #tpu.memory_space<vmem>>)
      tpu.yield
    }) : () -> ()
    %dma_start3A = arith.constant 0 : i32
    %dma_start3A_3 = arith.constant 0 : i32
    %dma_start3A_4 = tpu.memref_slice %arg3[%dma_start3A, %dma_start3A_3] : memref<4096x128xf32, #tpu.memory_space<hbm>> -> memref<4096x128xf32, #tpu.memory_space<hbm>>
    tpu.enqueue_indirect_dma source(%dma_start3A_4 : memref<4096x128xf32, #tpu.memory_space<hbm>>) target(%arg6 : memref<32x128xf32, #tpu.memory_space<vmem>>) offsets(%arg5 : memref<32xi32, #tpu.memory_space<vmem>>) semaphore(%arg7 : memref<!tpu.dma_semaphore, #tpu.memory_space<semaphore_mem>>)
    %dma_wait3A = arith.constant 0 : i32
    %dma_wait3A_5 = arith.constant 0 : i32
    %dma_wait3A_6 = tpu.memref_slice %arg3[%dma_wait3A, %dma_wait3A_5] : memref<4096x128xf32, #tpu.memory_space<hbm>> -> memref<4096x128xf32, #tpu.memory_space<hbm>>
    tpu.wait_indirect_dma semaphore(%arg7 : memref<!tpu.dma_semaphore, #tpu.memory_space<semaphore_mem>>) src(%dma_wait3A_6 : memref<4096x128xf32, #tpu.memory_space<hbm>>) dst(%arg6 : memref<32x128xf32, #tpu.memory_space<vmem>>)
    "tpu.region"() ({
      %run_scoped3A = tpu.sem_alloc : memref<!tpu.dma_semaphore, #tpu.memory_space<semaphore_mem>>
      %dma_start3A_7 = arith.constant 0 : i32
      %dma_start3A_8 = tpu.memref_slice %arg4[%mul3A_2, %dma_start3A_7] : memref<1024x128xf32, #tpu.memory_space<hbm>> -> memref<32x128xf32, #tpu.memory_space<hbm>>
      %dma_start3A_9 = arith.constant 0 : i32
      %dma_start3A_10 = tpu.memref_slice %arg4[%mul3A_2, %dma_start3A_9] : memref<1024x128xf32, #tpu.memory_space<hbm>> -> memref<32x128xf32, #tpu.memory_space<hbm>>
      tpu.enqueue_dma source(%arg6 : memref<32x128xf32, #tpu.memory_space<vmem>>) target(%dma_start3A_10 : memref<32x128xf32, #tpu.memory_space<hbm>>) target_semaphore(%run_scoped3A : memref<!tpu.dma_semaphore, #tpu.memory_space<semaphore_mem>>)
      %dma_wait3A_11 = arith.constant 0 : i32
      %dma_wait3A_12 = tpu.memref_slice %arg4[%mul3A_2, %dma_wait3A_11] : memref<1024x128xf32, #tpu.memory_space<hbm>> -> memref<32x128xf32, #tpu.memory_space<hbm>>
      %dma_wait3A_13 = arith.constant 0 : i32
      %dma_wait3A_14 = tpu.memref_slice %arg4[%mul3A_2, %dma_wait3A_13] : memref<1024x128xf32, #tpu.memory_space<hbm>> -> memref<32x128xf32, #tpu.memory_space<hbm>>
      tpu.wait_dma2 semaphore(%run_scoped3A : memref<!tpu.dma_semaphore, #tpu.memory_space<semaphore_mem>>) src(%arg6 : memref<32x128xf32, #tpu.memory_space<vmem>>) dst(%dma_wait3A_14 : memref<32x128xf32, #tpu.memory_space<hbm>>)
      tpu.yield
    }) : () -> ()
    return
  }
}

#map = affine_map<(d0, d1) -> (0)>
#map1 = affine_map<(d0, d1) -> (0, 0)>
module attributes {stable_mosaic.version = 14 : i64} {
  func.func @sc_gather_adj(%arg0: i32, %arg1: i32, %arg2: memref<1024xi32, #tpu.memory_space<hbm>>, %arg3: memref<4096x4096xf32, #tpu.memory_space<hbm>>, %arg4: memref<1024x4096xf32, #tpu.memory_space<hbm>>, %arg5: memref<16xi32, #tpu.memory_space<vmem>>, %arg6: memref<16x4096xf32, #tpu.memory_space<vmem>>, %arg7: memref<!tpu.dma_semaphore, #tpu.memory_space<semaphore_mem>>) attributes {dimension_semantics = [#tpu.dimension_semantics<core_parallel>, #tpu.dimension_semantics<subcore_parallel>], iteration_bounds = array<i64: 2, 16>, scalar_prefetch = 0 : i64, scratch_operands = 3 : i64, tpu.core_type = #tpu.core_type<sc_vector_subcore>, window_params = [{transform_indices = #map}, {transform_indices = #map1}, {transform_indices = #map1}]} {
    %mul3A = arith.constant 2 : i32
    %mul3A_0 = arith.muli %arg1, %mul3A : i32
    %add3A = arith.addi %mul3A_0, %arg0 : i32
    %mul3A_1 = arith.constant 32 : i32
    %mul3A_2 = arith.muli %add3A, %mul3A_1 : i32
    %add3A_3 = arith.constant 0 : i32
    %add3A_4 = arith.addi %mul3A_2, %add3A_3 : i32
    "tpu.region"() ({
      %run_scoped3A = tpu.sem_alloc : memref<!tpu.dma_semaphore, #tpu.memory_space<semaphore_mem>>
      %dma_start3A_17 = tpu.memref_slice %arg2[%add3A_4] : memref<1024xi32, #tpu.memory_space<hbm>> -> memref<16xi32, #tpu.memory_space<hbm>>
      %dma_start3A_18 = tpu.memref_slice %arg2[%add3A_4] : memref<1024xi32, #tpu.memory_space<hbm>> -> memref<16xi32, #tpu.memory_space<hbm>>
      tpu.enqueue_dma source(%dma_start3A_18 : memref<16xi32, #tpu.memory_space<hbm>>) target(%arg5 : memref<16xi32, #tpu.memory_space<vmem>>) target_semaphore(%run_scoped3A : memref<!tpu.dma_semaphore, #tpu.memory_space<semaphore_mem>>)
      %dma_wait3A_19 = tpu.memref_slice %arg2[%add3A_4] : memref<1024xi32, #tpu.memory_space<hbm>> -> memref<16xi32, #tpu.memory_space<hbm>>
      %dma_wait3A_20 = tpu.memref_slice %arg2[%add3A_4] : memref<1024xi32, #tpu.memory_space<hbm>> -> memref<16xi32, #tpu.memory_space<hbm>>
      tpu.wait_dma2 semaphore(%run_scoped3A : memref<!tpu.dma_semaphore, #tpu.memory_space<semaphore_mem>>) src(%dma_wait3A_20 : memref<16xi32, #tpu.memory_space<hbm>>) dst(%arg5 : memref<16xi32, #tpu.memory_space<vmem>>)
      tpu.yield
    }) : () -> ()
    %dma_start3A = arith.constant 0 : i32
    %dma_start3A_5 = arith.constant 0 : i32
    %dma_start3A_6 = tpu.memref_slice %arg3[%dma_start3A, %dma_start3A_5] : memref<4096x4096xf32, #tpu.memory_space<hbm>> -> memref<4096x4096xf32, #tpu.memory_space<hbm>>
    tpu.enqueue_indirect_dma source(%dma_start3A_6 : memref<4096x4096xf32, #tpu.memory_space<hbm>>) target(%arg6 : memref<16x4096xf32, #tpu.memory_space<vmem>>) offsets(%arg5 : memref<16xi32, #tpu.memory_space<vmem>>) semaphore(%arg7 : memref<!tpu.dma_semaphore, #tpu.memory_space<semaphore_mem>>)
    %dma_wait3A = arith.constant 0 : i32
    %dma_wait3A_7 = arith.constant 0 : i32
    %dma_wait3A_8 = tpu.memref_slice %arg3[%dma_wait3A, %dma_wait3A_7] : memref<4096x4096xf32, #tpu.memory_space<hbm>> -> memref<4096x4096xf32, #tpu.memory_space<hbm>>
    tpu.wait_indirect_dma semaphore(%arg7 : memref<!tpu.dma_semaphore, #tpu.memory_space<semaphore_mem>>) src(%dma_wait3A_8 : memref<4096x4096xf32, #tpu.memory_space<hbm>>) dst(%arg6 : memref<16x4096xf32, #tpu.memory_space<vmem>>)
    "tpu.region"() ({
      %run_scoped3A = tpu.sem_alloc : memref<!tpu.dma_semaphore, #tpu.memory_space<semaphore_mem>>
      %dma_start3A_17 = arith.constant 0 : i32
      %dma_start3A_18 = tpu.memref_slice %arg4[%add3A_4, %dma_start3A_17] : memref<1024x4096xf32, #tpu.memory_space<hbm>> -> memref<16x4096xf32, #tpu.memory_space<hbm>>
      %dma_start3A_19 = arith.constant 0 : i32
      %dma_start3A_20 = tpu.memref_slice %arg4[%add3A_4, %dma_start3A_19] : memref<1024x4096xf32, #tpu.memory_space<hbm>> -> memref<16x4096xf32, #tpu.memory_space<hbm>>
      tpu.enqueue_dma source(%arg6 : memref<16x4096xf32, #tpu.memory_space<vmem>>) target(%dma_start3A_20 : memref<16x4096xf32, #tpu.memory_space<hbm>>) target_semaphore(%run_scoped3A : memref<!tpu.dma_semaphore, #tpu.memory_space<semaphore_mem>>)
      %dma_wait3A_21 = arith.constant 0 : i32
      %dma_wait3A_22 = tpu.memref_slice %arg4[%add3A_4, %dma_wait3A_21] : memref<1024x4096xf32, #tpu.memory_space<hbm>> -> memref<16x4096xf32, #tpu.memory_space<hbm>>
      %dma_wait3A_23 = arith.constant 0 : i32
      %dma_wait3A_24 = tpu.memref_slice %arg4[%add3A_4, %dma_wait3A_23] : memref<1024x4096xf32, #tpu.memory_space<hbm>> -> memref<16x4096xf32, #tpu.memory_space<hbm>>
      tpu.wait_dma2 semaphore(%run_scoped3A : memref<!tpu.dma_semaphore, #tpu.memory_space<semaphore_mem>>) src(%arg6 : memref<16x4096xf32, #tpu.memory_space<vmem>>) dst(%dma_wait3A_24 : memref<16x4096xf32, #tpu.memory_space<hbm>>)
      tpu.yield
    }) : () -> ()
    %add3A_9 = arith.constant 16 : i32
    %add3A_10 = arith.addi %mul3A_2, %add3A_9 : i32
    "tpu.region"() ({
      %run_scoped3A = tpu.sem_alloc : memref<!tpu.dma_semaphore, #tpu.memory_space<semaphore_mem>>
      %dma_start3A_17 = tpu.memref_slice %arg2[%add3A_10] : memref<1024xi32, #tpu.memory_space<hbm>> -> memref<16xi32, #tpu.memory_space<hbm>>
      %dma_start3A_18 = tpu.memref_slice %arg2[%add3A_10] : memref<1024xi32, #tpu.memory_space<hbm>> -> memref<16xi32, #tpu.memory_space<hbm>>
      tpu.enqueue_dma source(%dma_start3A_18 : memref<16xi32, #tpu.memory_space<hbm>>) target(%arg5 : memref<16xi32, #tpu.memory_space<vmem>>) target_semaphore(%run_scoped3A : memref<!tpu.dma_semaphore, #tpu.memory_space<semaphore_mem>>)
      %dma_wait3A_19 = tpu.memref_slice %arg2[%add3A_10] : memref<1024xi32, #tpu.memory_space<hbm>> -> memref<16xi32, #tpu.memory_space<hbm>>
      %dma_wait3A_20 = tpu.memref_slice %arg2[%add3A_10] : memref<1024xi32, #tpu.memory_space<hbm>> -> memref<16xi32, #tpu.memory_space<hbm>>
      tpu.wait_dma2 semaphore(%run_scoped3A : memref<!tpu.dma_semaphore, #tpu.memory_space<semaphore_mem>>) src(%dma_wait3A_20 : memref<16xi32, #tpu.memory_space<hbm>>) dst(%arg5 : memref<16xi32, #tpu.memory_space<vmem>>)
      tpu.yield
    }) : () -> ()
    %dma_start3A_11 = arith.constant 0 : i32
    %dma_start3A_12 = arith.constant 0 : i32
    %dma_start3A_13 = tpu.memref_slice %arg3[%dma_start3A_11, %dma_start3A_12] : memref<4096x4096xf32, #tpu.memory_space<hbm>> -> memref<4096x4096xf32, #tpu.memory_space<hbm>>
    tpu.enqueue_indirect_dma source(%dma_start3A_13 : memref<4096x4096xf32, #tpu.memory_space<hbm>>) target(%arg6 : memref<16x4096xf32, #tpu.memory_space<vmem>>) offsets(%arg5 : memref<16xi32, #tpu.memory_space<vmem>>) semaphore(%arg7 : memref<!tpu.dma_semaphore, #tpu.memory_space<semaphore_mem>>)
    %dma_wait3A_14 = arith.constant 0 : i32
    %dma_wait3A_15 = arith.constant 0 : i32
    %dma_wait3A_16 = tpu.memref_slice %arg3[%dma_wait3A_14, %dma_wait3A_15] : memref<4096x4096xf32, #tpu.memory_space<hbm>> -> memref<4096x4096xf32, #tpu.memory_space<hbm>>
    tpu.wait_indirect_dma semaphore(%arg7 : memref<!tpu.dma_semaphore, #tpu.memory_space<semaphore_mem>>) src(%dma_wait3A_16 : memref<4096x4096xf32, #tpu.memory_space<hbm>>) dst(%arg6 : memref<16x4096xf32, #tpu.memory_space<vmem>>)
    "tpu.region"() ({
      %run_scoped3A = tpu.sem_alloc : memref<!tpu.dma_semaphore, #tpu.memory_space<semaphore_mem>>
      %dma_start3A_17 = arith.constant 0 : i32
      %dma_start3A_18 = tpu.memref_slice %arg4[%add3A_10, %dma_start3A_17] : memref<1024x4096xf32, #tpu.memory_space<hbm>> -> memref<16x4096xf32, #tpu.memory_space<hbm>>
      %dma_start3A_19 = arith.constant 0 : i32
      %dma_start3A_20 = tpu.memref_slice %arg4[%add3A_10, %dma_start3A_19] : memref<1024x4096xf32, #tpu.memory_space<hbm>> -> memref<16x4096xf32, #tpu.memory_space<hbm>>
      tpu.enqueue_dma source(%arg6 : memref<16x4096xf32, #tpu.memory_space<vmem>>) target(%dma_start3A_20 : memref<16x4096xf32, #tpu.memory_space<hbm>>) target_semaphore(%run_scoped3A : memref<!tpu.dma_semaphore, #tpu.memory_space<semaphore_mem>>)
      %dma_wait3A_21 = arith.constant 0 : i32
      %dma_wait3A_22 = tpu.memref_slice %arg4[%add3A_10, %dma_wait3A_21] : memref<1024x4096xf32, #tpu.memory_space<hbm>> -> memref<16x4096xf32, #tpu.memory_space<hbm>>
      %dma_wait3A_23 = arith.constant 0 : i32
      %dma_wait3A_24 = tpu.memref_slice %arg4[%add3A_10, %dma_wait3A_23] : memref<1024x4096xf32, #tpu.memory_space<hbm>> -> memref<16x4096xf32, #tpu.memory_space<hbm>>
      tpu.wait_dma2 semaphore(%run_scoped3A : memref<!tpu.dma_semaphore, #tpu.memory_space<semaphore_mem>>) src(%arg6 : memref<16x4096xf32, #tpu.memory_space<vmem>>) dst(%dma_wait3A_24 : memref<16x4096xf32, #tpu.memory_space<hbm>>)
      tpu.yield
    }) : () -> ()
    return
  }
}

module attributes {stable_mosaic.version = 14 : i64} {
  func.func @_vsn_kernel(%arg0: memref<1024x450xf32, #tpu.memory_space<vmem>>, %arg1: memref<9x128xf32, #tpu.memory_space<vmem>>, %arg2: memref<1x128xf32, #tpu.memory_space<vmem>>, %arg3: memref<128x9xf32, #tpu.memory_space<vmem>>, %arg4: memref<1x9xf32, #tpu.memory_space<vmem>>, %arg5: memref<1024x450xf32, #tpu.memory_space<vmem>>) attributes {dimension_semantics = [], scalar_prefetch = 0 : i64, scratch_operands = 0 : i64, tpu.core_type = #tpu.core_type<tc>} {
    %get3A = arith.constant 0 : index
    %get3A_0 = arith.constant 0 : index
    %get3A_1 = vector.load %arg0[%get3A, %get3A_0] : memref<1024x450xf32, #tpu.memory_space<vmem>>, vector<1024x450xf32>
    %iota3A = tpu.iota {dimensions = array<i32: 0>} : vector<450x9xi32>
    %iota3A_2 = tpu.iota {dimensions = array<i32: 1>} : vector<450x9xi32>
    %jit3A = arith.constant 9 : i32
    %eq3A = arith.constant 0 : i32
    %eq3A_3 = arith.cmpi eq, %jit3A, %eq3A : i32
    %jit3A_4 = arith.constant 1 : i32
    %select_n3A = arith.select %eq3A_3, %jit3A_4, %jit3A : i32
    %rem3A = vector.broadcast %select_n3A : i32 to vector<450x9xi32>
    %rem3A_5 = arith.remsi %iota3A, %rem3A : vector<450x9xi32>
    %ne3A = arith.constant 0 : i32
    %ne3A_6 = vector.broadcast %ne3A : i32 to vector<450x9xi32>
    %ne3A_7 = arith.cmpi ne, %rem3A_5, %ne3A_6 : vector<450x9xi32>
    %lt3A = arith.constant 0 : i32
    %lt3A_8 = vector.broadcast %lt3A : i32 to vector<450x9xi32>
    %lt3A_9 = arith.cmpi slt, %rem3A_5, %lt3A_8 : vector<450x9xi32>
    %lt3A_10 = arith.constant 0 : i32
    %lt3A_11 = arith.cmpi slt, %select_n3A, %lt3A_10 : i32
    %ne3A_12 = vector.broadcast %lt3A_11 : i1 to vector<450x9xi1>
    %ne3A_13 = vector.broadcast %ne3A_12 : vector<450x9xi1> to vector<450x9xi1>
    %ne3A_14 = arith.xori %lt3A_9, %ne3A_13 : vector<450x9xi1>
    %and3A = arith.andi %ne3A_14, %ne3A_7 : vector<450x9xi1>
    %add3A = vector.broadcast %select_n3A : i32 to vector<450x9xi32>
    %add3A_15 = arith.addi %rem3A_5, %add3A : vector<450x9xi32>
    %select_n3A_16 = arith.select %and3A, %add3A_15, %rem3A_5 : vector<450x9xi1>, vector<450x9xi32>
    %eq3A_17 = arith.cmpi eq, %select_n3A_16, %iota3A_2 : vector<450x9xi32>
    %convert_element_type3A = arith.extui %eq3A_17 : vector<450x9xi1> to vector<450x9xi32>
    %convert_element_type3A_18 = arith.sitofp %convert_element_type3A : vector<450x9xi32> to vector<450x9xf32>
    %dot_general3A = arith.constant dense<0.000000e+00> : vector<1024x9xf32>
    %dot_general3A_19 = tpu.matmul %get3A_1, %convert_element_type3A_18, %dot_general3A {dimension_numbers = #tpu.dot_dimension_numbers<[1], [0], [0], [1], [0, 0, 1, 1], [], []>, precision = #tpu.contract_precision<fp32>, transpose_lhs_hint = false} : vector<1024x450xf32>, vector<450x9xf32>, vector<1024x9xf32> -> vector<1024x9xf32>
    %div3A = arith.constant 5.000000e+01 : f32
    %div3A_20 = vector.broadcast %div3A : f32 to vector<1024x9xf32>
    %div3A_21 = arith.divf %dot_general3A_19, %div3A_20 : vector<1024x9xf32>
    %get3A_22 = arith.constant 0 : index
    %get3A_23 = arith.constant 0 : index
    %get3A_24 = vector.load %arg1[%get3A_22, %get3A_23] : memref<9x128xf32, #tpu.memory_space<vmem>>, vector<9x128xf32>
    %dot_general3A_25 = arith.constant dense<0.000000e+00> : vector<1024x128xf32>
    %dot_general3A_26 = tpu.matmul %div3A_21, %get3A_24, %dot_general3A_25 {dimension_numbers = #tpu.dot_dimension_numbers<[1], [0], [0], [1], [0, 0, 1, 1], [], []>, transpose_lhs_hint = false} : vector<1024x9xf32>, vector<9x128xf32>, vector<1024x128xf32> -> vector<1024x128xf32>
    %get3A_27 = arith.constant 0 : index
    %get3A_28 = arith.constant 0 : index
    %get3A_29 = vector.load %arg2[%get3A_27, %get3A_28] : memref<1x128xf32, #tpu.memory_space<vmem>>, vector<1x128xf32>
    %add3A_30 = vector.broadcast %get3A_29 : vector<1x128xf32> to vector<1024x128xf32>
    %add3A_31 = arith.addf %dot_general3A_26, %add3A_30 : vector<1024x128xf32>
    %div3A_32 = arith.constant 1.41421354 : f32
    %div3A_33 = vector.broadcast %div3A_32 : f32 to vector<1024x128xf32>
    %div3A_34 = arith.divf %add3A_31, %div3A_33 : vector<1024x128xf32>
    %erf3A = math.erf %div3A_34 : vector<1024x128xf32>
    %add3A_35 = arith.constant 1.000000e+00 : f32
    %add3A_36 = vector.broadcast %add3A_35 : f32 to vector<1024x128xf32>
    %add3A_37 = arith.addf %erf3A, %add3A_36 : vector<1024x128xf32>
    %mul3A = arith.mulf %add3A_31, %add3A_37 : vector<1024x128xf32>
    %div3A_38 = arith.constant 2.000000e+00 : f32
    %div3A_39 = vector.broadcast %div3A_38 : f32 to vector<1024x128xf32>
    %div3A_40 = arith.divf %mul3A, %div3A_39 : vector<1024x128xf32>
    %get3A_41 = arith.constant 0 : index
    %get3A_42 = arith.constant 0 : index
    %get3A_43 = vector.load %arg3[%get3A_41, %get3A_42] : memref<128x9xf32, #tpu.memory_space<vmem>>, vector<128x9xf32>
    %dot_general3A_44 = arith.constant dense<0.000000e+00> : vector<1024x9xf32>
    %dot_general3A_45 = tpu.matmul %div3A_40, %get3A_43, %dot_general3A_44 {dimension_numbers = #tpu.dot_dimension_numbers<[1], [0], [0], [1], [0, 0, 1, 1], [], []>, transpose_lhs_hint = false} : vector<1024x128xf32>, vector<128x9xf32>, vector<1024x9xf32> -> vector<1024x9xf32>
    %get3A_46 = arith.constant 0 : index
    %get3A_47 = arith.constant 0 : index
    %get3A_48 = vector.load %arg4[%get3A_46, %get3A_47] : memref<1x9xf32, #tpu.memory_space<vmem>>, vector<1x9xf32>
    %add3A_49 = vector.broadcast %get3A_48 : vector<1x9xf32> to vector<1024x9xf32>
    %add3A_50 = arith.addf %dot_general3A_45, %add3A_49 : vector<1024x9xf32>
    %reduce_max3A = arith.constant dense<0xFF800000> : vector<1024xf32>
    %reduce_max3A_51 = vector.multi_reduction <maximumf>, %add3A_50, %reduce_max3A [1] : vector<1024x9xf32> to vector<1024xf32>
    %broadcast_in_dim3A = vector.shape_cast %reduce_max3A_51 : vector<1024xf32> to vector<1024x1xf32>
    %sub3A = vector.broadcast %broadcast_in_dim3A : vector<1024x1xf32> to vector<1024x9xf32>
    %sub3A_52 = arith.subf %add3A_50, %sub3A : vector<1024x9xf32>
    %exp3A = math.exp %sub3A_52 : vector<1024x9xf32>
    %reduce_sum3A = arith.constant dense<0.000000e+00> : vector<1024xf32>
    %reduce_sum3A_53 = vector.multi_reduction <add>, %exp3A, %reduce_sum3A [1] : vector<1024x9xf32> to vector<1024xf32>
    %broadcast_in_dim3A_54 = vector.shape_cast %reduce_sum3A_53 : vector<1024xf32> to vector<1024x1xf32>
    %div3A_55 = vector.broadcast %broadcast_in_dim3A_54 : vector<1024x1xf32> to vector<1024x9xf32>
    %div3A_56 = arith.divf %exp3A, %div3A_55 : vector<1024x9xf32>
    %concatenate3A = tpu.concatenate %div3A_56, %div3A_56, %div3A_56, %div3A_56, %div3A_56, %div3A_56, %div3A_56, %div3A_56, %div3A_56, %div3A_56, %div3A_56, %div3A_56, %div3A_56, %div3A_56, %div3A_56, %div3A_56, %div3A_56, %div3A_56, %div3A_56, %div3A_56, %div3A_56, %div3A_56, %div3A_56, %div3A_56, %div3A_56, %div3A_56, %div3A_56, %div3A_56, %div3A_56, %div3A_56, %div3A_56, %div3A_56, %div3A_56, %div3A_56, %div3A_56, %div3A_56, %div3A_56, %div3A_56, %div3A_56, %div3A_56, %div3A_56, %div3A_56, %div3A_56, %div3A_56, %div3A_56, %div3A_56, %div3A_56, %div3A_56, %div3A_56, %div3A_56 in 1 : vector<1024x9xf32>, vector<1024x9xf32>, vector<1024x9xf32>, vector<1024x9xf32>, vector<1024x9xf32>, vector<1024x9xf32>, vector<1024x9xf32>, vector<1024x9xf32>, vector<1024x9xf32>, vector<1024x9xf32>, vector<1024x9xf32>, vector<1024x9xf32>, vector<1024x9xf32>, vector<1024x9xf32>, vector<1024x9xf32>, vector<1024x9xf32>, vector<1024x9xf32>, vector<1024x9xf32>, vector<1024x9xf32>, vector<1024x9xf32>, vector<1024x9xf32>, vector<1024x9xf32>, vector<1024x9xf32>, vector<1024x9xf32>, vector<1024x9xf32>, vector<1024x9xf32>, vector<1024x9xf32>, vector<1024x9xf32>, vector<1024x9xf32>, vector<1024x9xf32>, vector<1024x9xf32>, vector<1024x9xf32>, vector<1024x9xf32>, vector<1024x9xf32>, vector<1024x9xf32>, vector<1024x9xf32>, vector<1024x9xf32>, vector<1024x9xf32>, vector<1024x9xf32>, vector<1024x9xf32>, vector<1024x9xf32>, vector<1024x9xf32>, vector<1024x9xf32>, vector<1024x9xf32>, vector<1024x9xf32>, vector<1024x9xf32>, vector<1024x9xf32>, vector<1024x9xf32>, vector<1024x9xf32>, vector<1024x9xf32> -> vector<1024x450xf32>
    %mul3A_57 = arith.mulf %get3A_1, %concatenate3A : vector<1024x450xf32>
    %swap3A = arith.constant 0 : index
    %swap3A_58 = arith.constant 0 : index
    %swap3A_59 = vector.load %arg5[%swap3A, %swap3A_58] : memref<1024x450xf32, #tpu.memory_space<vmem>>, vector<1024x450xf32>
    tpu.vector_store %arg5[%swap3A, %swap3A_58], %mul3A_57 {strides = array<i32>} : memref<1024x450xf32, #tpu.memory_space<vmem>>, vector<1024x450xf32>,
    return
  }
}

module attributes {stable_mosaic.version = 14 : i64} {
  func.func @_lstm_kernel(%arg0: i32, %arg1: memref<5x1024x9xf32, #tpu.memory_space<vmem>>, %arg2: memref<9x128xf32, #tpu.memory_space<vmem>>, %arg3: memref<1x128xf32, #tpu.memory_space<vmem>>, %arg4: memref<128x512xf32, #tpu.memory_space<vmem>>, %arg5: memref<1x512xf32, #tpu.memory_space<vmem>>, %arg6: memref<128x512xf32, #tpu.memory_space<vmem>>, %arg7: memref<1x512xf32, #tpu.memory_space<vmem>>, %arg8: memref<128x512xf32, #tpu.memory_space<vmem>>, %arg9: memref<1x512xf32, #tpu.memory_space<vmem>>, %arg10: memref<128x512xf32, #tpu.memory_space<vmem>>, %arg11: memref<1x512xf32, #tpu.memory_space<vmem>>, %arg12: memref<1x128xf32, #tpu.memory_space<vmem>>, %arg13: memref<1x128xf32, #tpu.memory_space<vmem>>, %arg14: memref<1024x128xf32, #tpu.memory_space<vmem>>, %arg15: memref<1024x128xf32, #tpu.memory_space<vmem>>, %arg16: memref<1024x128xf32, #tpu.memory_space<vmem>>, %arg17: memref<1024x128xf32, #tpu.memory_space<vmem>>, %arg18: memref<1024x128xf32, #tpu.memory_space<vmem>>) attributes {dimension_semantics = [#tpu.dimension_semantics<arbitrary>], iteration_bounds = array<i64: 10>, scalar_prefetch = 0 : i64, scratch_operands = 4 : i64, tpu.core_type = #tpu.core_type<tc>, window_params = [{transform_indices = @transform_0, window_bounds = array<i64: 5, 1024, 9>}, {pipeline_mode = #tpu.pipeline_mode<synchronous>, transform_indices = @transform_1, window_bounds = array<i64: 9, 128>}, {pipeline_mode = #tpu.pipeline_mode<synchronous>, transform_indices = @transform_2, window_bounds = array<i64: 1, 128>}, {pipeline_mode = #tpu.pipeline_mode<synchronous>, transform_indices = @transform_3, window_bounds = array<i64: 128, 512>}, {pipeline_mode = #tpu.pipeline_mode<synchronous>, transform_indices = @transform_4, window_bounds = array<i64: 1, 512>}, {pipeline_mode = #tpu.pipeline_mode<synchronous>, transform_indices = @transform_5, window_bounds = array<i64: 128, 512>}, {pipeline_mode = #tpu.pipeline_mode<synchronous>, transform_indices = @transform_6, window_bounds = array<i64: 1, 512>}, {pipeline_mode = #tpu.pipeline_mode<synchronous>, transform_indices = @transform_7, window_bounds = array<i64: 128, 512>}, {pipeline_mode = #tpu.pipeline_mode<synchronous>, transform_indices = @transform_8, window_bounds = array<i64: 1, 512>}, {pipeline_mode = #tpu.pipeline_mode<synchronous>, transform_indices = @transform_9, window_bounds = array<i64: 128, 512>}, {pipeline_mode = #tpu.pipeline_mode<synchronous>, transform_indices = @transform_10, window_bounds = array<i64: 1, 512>}, {pipeline_mode = #tpu.pipeline_mode<synchronous>, transform_indices = @transform_11, window_bounds = array<i64: 1, 128>}, {pipeline_mode = #tpu.pipeline_mode<synchronous>, transform_indices = @transform_12, window_bounds = array<i64: 1, 128>}, {pipeline_mode = #tpu.pipeline_mode<synchronous>, transform_indices = @transform_13, window_bounds = array<i64: 1024, 128>}]} {
    %eq3A = arith.constant 0 : i32
    %eq3A_0 = arith.cmpi eq, %arg0, %eq3A : i32
    %convert_element_type3A = arith.extui %eq3A_0 : i1 to i32
    %cond3A = arith.constant 0 : i32
    %cond3A_1 = arith.cmpi ne, %convert_element_type3A, %cond3A : i32
    scf.if %cond3A_1 {
      %broadcast_in_dim3A = arith.constant 0.000000e+00 : f32
      %broadcast_in_dim3A_588 = vector.broadcast %broadcast_in_dim3A : f32 to vector<1024x128xf32>
      %swap3A_589 = arith.constant 0 : index
      %swap3A_590 = arith.constant 0 : index
      %swap3A_591 = vector.load %arg15[%swap3A_589, %swap3A_590] : memref<1024x128xf32, #tpu.memory_space<vmem>>, vector<1024x128xf32>
      tpu.vector_store %arg15[%swap3A_589, %swap3A_590], %broadcast_in_dim3A_588 {strides = array<i32>} : memref<1024x128xf32, #tpu.memory_space<vmem>>, vector<1024x128xf32>,
      %swap3A_592 = arith.constant 0 : index
      %swap3A_593 = arith.constant 0 : index
      %swap3A_594 = vector.load %arg16[%swap3A_592, %swap3A_593] : memref<1024x128xf32, #tpu.memory_space<vmem>>, vector<1024x128xf32>
      tpu.vector_store %arg16[%swap3A_592, %swap3A_593], %broadcast_in_dim3A_588 {strides = array<i32>} : memref<1024x128xf32, #tpu.memory_space<vmem>>, vector<1024x128xf32>,
      %swap3A_595 = arith.constant 0 : index
      %swap3A_596 = arith.constant 0 : index
      %swap3A_597 = vector.load %arg17[%swap3A_595, %swap3A_596] : memref<1024x128xf32, #tpu.memory_space<vmem>>, vector<1024x128xf32>
      tpu.vector_store %arg17[%swap3A_595, %swap3A_596], %broadcast_in_dim3A_588 {strides = array<i32>} : memref<1024x128xf32, #tpu.memory_space<vmem>>, vector<1024x128xf32>,
      %swap3A_598 = arith.constant 0 : index
      %swap3A_599 = arith.constant 0 : index
      %swap3A_600 = vector.load %arg18[%swap3A_598, %swap3A_599] : memref<1024x128xf32, #tpu.memory_space<vmem>>, vector<1024x128xf32>
      tpu.vector_store %arg18[%swap3A_598, %swap3A_599], %broadcast_in_dim3A_588 {strides = array<i32>} : memref<1024x128xf32, #tpu.memory_space<vmem>>, vector<1024x128xf32>,
    } else {
    }
    %get3A = arith.constant 0 : index
    %get3A_2 = arith.constant 0 : index
    %get3A_3 = vector.load %arg15[%get3A, %get3A_2] : memref<1024x128xf32, #tpu.memory_space<vmem>>, vector<1024x128xf32>
    %get3A_4 = arith.constant 0 : index
    %get3A_5 = arith.constant 0 : index
    %get3A_6 = vector.load %arg16[%get3A_4, %get3A_5] : memref<1024x128xf32, #tpu.memory_space<vmem>>, vector<1024x128xf32>
    %get3A_7 = arith.constant 0 : index
    %get3A_8 = arith.constant 0 : index
    %get3A_9 = vector.load %arg17[%get3A_7, %get3A_8] : memref<1024x128xf32, #tpu.memory_space<vmem>>, vector<1024x128xf32>
    %get3A_10 = arith.constant 0 : index
    %get3A_11 = arith.constant 0 : index
    %get3A_12 = vector.load %arg18[%get3A_10, %get3A_11] : memref<1024x128xf32, #tpu.memory_space<vmem>>, vector<1024x128xf32>
    %get3A_13 = arith.constant 0 : index
    %get3A_14 = arith.constant 0 : index
    %get3A_15 = arith.constant 0 : index
    %get3A_16 = vector.load %arg1[%get3A_13, %get3A_14, %get3A_15] : memref<5x1024x9xf32, #tpu.memory_space<vmem>>, vector<1x1024x9xf32>
    %get3A_17 = vector.shape_cast %get3A_16 : vector<1x1024x9xf32> to vector<1024x9xf32>
    %get3A_18 = arith.constant 0 : index
    %get3A_19 = arith.constant 0 : index
    %get3A_20 = vector.load %arg2[%get3A_18, %get3A_19] : memref<9x128xf32, #tpu.memory_space<vmem>>, vector<9x128xf32>
    %dot_general3A = arith.constant dense<0.000000e+00> : vector<1024x128xf32>
    %dot_general3A_21 = tpu.matmul %get3A_17, %get3A_20, %dot_general3A {dimension_numbers = #tpu.dot_dimension_numbers<[1], [0], [0], [1], [0, 0, 1, 1], [], []>, transpose_lhs_hint = false} : vector<1024x9xf32>, vector<9x128xf32>, vector<1024x128xf32> -> vector<1024x128xf32>
    %get3A_22 = arith.constant 0 : index
    %get3A_23 = arith.constant 0 : index
    %get3A_24 = vector.load %arg3[%get3A_22, %get3A_23] : memref<1x128xf32, #tpu.memory_space<vmem>>, vector<1x128xf32>
    %add3A = vector.broadcast %get3A_24 : vector<1x128xf32> to vector<1024x128xf32>
    %add3A_25 = arith.addf %dot_general3A_21, %add3A : vector<1024x128xf32>
    %get3A_26 = arith.constant 0 : index
    %get3A_27 = arith.constant 0 : index
    %get3A_28 = vector.load %arg4[%get3A_26, %get3A_27] : memref<128x512xf32, #tpu.memory_space<vmem>>, vector<128x512xf32>
    %get3A_29 = arith.constant 0 : index
    %get3A_30 = arith.constant 0 : index
    %get3A_31 = vector.load %arg5[%get3A_29, %get3A_30] : memref<1x512xf32, #tpu.memory_space<vmem>>, vector<1x512xf32>
    %get3A_32 = arith.constant 0 : index
    %get3A_33 = arith.constant 0 : index
    %get3A_34 = vector.load %arg6[%get3A_32, %get3A_33] : memref<128x512xf32, #tpu.memory_space<vmem>>, vector<128x512xf32>
    %get3A_35 = arith.constant 0 : index
    %get3A_36 = arith.constant 0 : index
    %get3A_37 = vector.load %arg7[%get3A_35, %get3A_36] : memref<1x512xf32, #tpu.memory_space<vmem>>, vector<1x512xf32>
    %dot_general3A_38 = arith.constant dense<0.000000e+00> : vector<1024x512xf32>
    %dot_general3A_39 = tpu.matmul %add3A_25, %get3A_28, %dot_general3A_38 {dimension_numbers = #tpu.dot_dimension_numbers<[1], [0], [0], [1], [0, 0, 1, 1], [], []>, transpose_lhs_hint = false} : vector<1024x128xf32>, vector<128x512xf32>, vector<1024x512xf32> -> vector<1024x512xf32>
    %add3A_40 = vector.broadcast %get3A_31 : vector<1x512xf32> to vector<1024x512xf32>
    %add3A_41 = arith.addf %dot_general3A_39, %add3A_40 : vector<1024x512xf32>
    %dot_general3A_42 = arith.constant dense<0.000000e+00> : vector<1024x512xf32>
    %dot_general3A_43 = tpu.matmul %get3A_3, %get3A_34, %dot_general3A_42 {dimension_numbers = #tpu.dot_dimension_numbers<[1], [0], [0], [1], [0, 0, 1, 1], [], []>, transpose_lhs_hint = false} : vector<1024x128xf32>, vector<128x512xf32>, vector<1024x512xf32> -> vector<1024x512xf32>
    %add3A_44 = arith.addf %add3A_41, %dot_general3A_43 : vector<1024x512xf32>
    %add3A_45 = vector.broadcast %get3A_37 : vector<1x512xf32> to vector<1024x512xf32>
    %add3A_46 = arith.addf %add3A_44, %add3A_45 : vector<1024x512xf32>
    %slice3A = vector.extract_strided_slice %add3A_46 {offsets = [0, 0], sizes = [1024, 128], strides = [1, 1]} : vector<1024x512xf32> to vector<1024x128xf32>
    %slice3A_47 = vector.extract_strided_slice %add3A_46 {offsets = [0, 128], sizes = [1024, 128], strides = [1, 1]} : vector<1024x512xf32> to vector<1024x128xf32>
    %slice3A_48 = vector.extract_strided_slice %add3A_46 {offsets = [0, 256], sizes = [1024, 128], strides = [1, 1]} : vector<1024x512xf32> to vector<1024x128xf32>
    %slice3A_49 = vector.extract_strided_slice %add3A_46 {offsets = [0, 384], sizes = [1024, 128], strides = [1, 1]} : vector<1024x512xf32> to vector<1024x128xf32>
    %logistic3A = arith.negf %slice3A_47 : vector<1024x128xf32>
    %logistic3A_50 = math.exp %logistic3A : vector<1024x128xf32>
    %logistic3A_51 = arith.constant 1.000000e+00 : f32
    %logistic3A_52 = vector.broadcast %logistic3A_51 : f32 to vector<1024x128xf32>
    %logistic3A_53 = arith.addf %logistic3A_52, %logistic3A_50 : vector<1024x128xf32>
    %logistic3A_54 = arith.divf %logistic3A_52, %logistic3A_53 : vector<1024x128xf32>
    %mul3A = arith.mulf %logistic3A_54, %get3A_6 : vector<1024x128xf32>
    %logistic3A_55 = arith.negf %slice3A : vector<1024x128xf32>
    %logistic3A_56 = math.exp %logistic3A_55 : vector<1024x128xf32>
    %logistic3A_57 = arith.constant 1.000000e+00 : f32
    %logistic3A_58 = vector.broadcast %logistic3A_57 : f32 to vector<1024x128xf32>
    %logistic3A_59 = arith.addf %logistic3A_58, %logistic3A_56 : vector<1024x128xf32>
    %logistic3A_60 = arith.divf %logistic3A_58, %logistic3A_59 : vector<1024x128xf32>
    %tanh3A = math.tanh %slice3A_48 : vector<1024x128xf32>
    %mul3A_61 = arith.mulf %logistic3A_60, %tanh3A : vector<1024x128xf32>
    %add3A_62 = arith.addf %mul3A, %mul3A_61 : vector<1024x128xf32>
    %logistic3A_63 = arith.negf %slice3A_49 : vector<1024x128xf32>
    %logistic3A_64 = math.exp %logistic3A_63 : vector<1024x128xf32>
    %logistic3A_65 = arith.constant 1.000000e+00 : f32
    %logistic3A_66 = vector.broadcast %logistic3A_65 : f32 to vector<1024x128xf32>
    %logistic3A_67 = arith.addf %logistic3A_66, %logistic3A_64 : vector<1024x128xf32>
    %logistic3A_68 = arith.divf %logistic3A_66, %logistic3A_67 : vector<1024x128xf32>
    %tanh3A_69 = math.tanh %add3A_62 : vector<1024x128xf32>
    %mul3A_70 = arith.mulf %logistic3A_68, %tanh3A_69 : vector<1024x128xf32>
    %get3A_71 = arith.constant 0 : index
    %get3A_72 = arith.constant 0 : index
    %get3A_73 = vector.load %arg8[%get3A_71, %get3A_72] : memref<128x512xf32, #tpu.memory_space<vmem>>, vector<128x512xf32>
    %get3A_74 = arith.constant 0 : index
    %get3A_75 = arith.constant 0 : index
    %get3A_76 = vector.load %arg9[%get3A_74, %get3A_75] : memref<1x512xf32, #tpu.memory_space<vmem>>, vector<1x512xf32>
    %get3A_77 = arith.constant 0 : index
    %get3A_78 = arith.constant 0 : index
    %get3A_79 = vector.load %arg10[%get3A_77, %get3A_78] : memref<128x512xf32, #tpu.memory_space<vmem>>, vector<128x512xf32>
    %get3A_80 = arith.constant 0 : index
    %get3A_81 = arith.constant 0 : index
    %get3A_82 = vector.load %arg11[%get3A_80, %get3A_81] : memref<1x512xf32, #tpu.memory_space<vmem>>, vector<1x512xf32>
    %dot_general3A_83 = arith.constant dense<0.000000e+00> : vector<1024x512xf32>
    %dot_general3A_84 = tpu.matmul %mul3A_70, %get3A_73, %dot_general3A_83 {dimension_numbers = #tpu.dot_dimension_numbers<[1], [0], [0], [1], [0, 0, 1, 1], [], []>, transpose_lhs_hint = false} : vector<1024x128xf32>, vector<128x512xf32>, vector<1024x512xf32> -> vector<1024x512xf32>
    %add3A_85 = vector.broadcast %get3A_76 : vector<1x512xf32> to vector<1024x512xf32>
    %add3A_86 = arith.addf %dot_general3A_84, %add3A_85 : vector<1024x512xf32>
    %dot_general3A_87 = arith.constant dense<0.000000e+00> : vector<1024x512xf32>
    %dot_general3A_88 = tpu.matmul %get3A_9, %get3A_79, %dot_general3A_87 {dimension_numbers = #tpu.dot_dimension_numbers<[1], [0], [0], [1], [0, 0, 1, 1], [], []>, transpose_lhs_hint = false} : vector<1024x128xf32>, vector<128x512xf32>, vector<1024x512xf32> -> vector<1024x512xf32>
    %add3A_89 = arith.addf %add3A_86, %dot_general3A_88 : vector<1024x512xf32>
    %add3A_90 = vector.broadcast %get3A_82 : vector<1x512xf32> to vector<1024x512xf32>
    %add3A_91 = arith.addf %add3A_89, %add3A_90 : vector<1024x512xf32>
    %slice3A_92 = vector.extract_strided_slice %add3A_91 {offsets = [0, 0], sizes = [1024, 128], strides = [1, 1]} : vector<1024x512xf32> to vector<1024x128xf32>
    %slice3A_93 = vector.extract_strided_slice %add3A_91 {offsets = [0, 128], sizes = [1024, 128], strides = [1, 1]} : vector<1024x512xf32> to vector<1024x128xf32>
    %slice3A_94 = vector.extract_strided_slice %add3A_91 {offsets = [0, 256], sizes = [1024, 128], strides = [1, 1]} : vector<1024x512xf32> to vector<1024x128xf32>
    %slice3A_95 = vector.extract_strided_slice %add3A_91 {offsets = [0, 384], sizes = [1024, 128], strides = [1, 1]} : vector<1024x512xf32> to vector<1024x128xf32>
    %logistic3A_96 = arith.negf %slice3A_93 : vector<1024x128xf32>
    %logistic3A_97 = math.exp %logistic3A_96 : vector<1024x128xf32>
    %logistic3A_98 = arith.constant 1.000000e+00 : f32
    %logistic3A_99 = vector.broadcast %logistic3A_98 : f32 to vector<1024x128xf32>
    %logistic3A_100 = arith.addf %logistic3A_99, %logistic3A_97 : vector<1024x128xf32>
    %logistic3A_101 = arith.divf %logistic3A_99, %logistic3A_100 : vector<1024x128xf32>
    %mul3A_102 = arith.mulf %logistic3A_101, %get3A_12 : vector<1024x128xf32>
    %logistic3A_103 = arith.negf %slice3A_92 : vector<1024x128xf32>
    %logistic3A_104 = math.exp %logistic3A_103 : vector<1024x128xf32>
    %logistic3A_105 = arith.constant 1.000000e+00 : f32
    %logistic3A_106 = vector.broadcast %logistic3A_105 : f32 to vector<1024x128xf32>
    %logistic3A_107 = arith.addf %logistic3A_106, %logistic3A_104 : vector<1024x128xf32>
    %logistic3A_108 = arith.divf %logistic3A_106, %logistic3A_107 : vector<1024x128xf32>
    %tanh3A_109 = math.tanh %slice3A_94 : vector<1024x128xf32>
    %mul3A_110 = arith.mulf %logistic3A_108, %tanh3A_109 : vector<1024x128xf32>
    %add3A_111 = arith.addf %mul3A_102, %mul3A_110 : vector<1024x128xf32>
    %logistic3A_112 = arith.negf %slice3A_95 : vector<1024x128xf32>
    %logistic3A_113 = math.exp %logistic3A_112 : vector<1024x128xf32>
    %logistic3A_114 = arith.constant 1.000000e+00 : f32
    %logistic3A_115 = vector.broadcast %logistic3A_114 : f32 to vector<1024x128xf32>
    %logistic3A_116 = arith.addf %logistic3A_115, %logistic3A_113 : vector<1024x128xf32>
    %logistic3A_117 = arith.divf %logistic3A_115, %logistic3A_116 : vector<1024x128xf32>
    %tanh3A_118 = math.tanh %add3A_111 : vector<1024x128xf32>
    %mul3A_119 = arith.mulf %logistic3A_117, %tanh3A_118 : vector<1024x128xf32>
    %get3A_120 = arith.constant 1 : index
    %get3A_121 = arith.constant 0 : index
    %get3A_122 = arith.constant 0 : index
    %get3A_123 = vector.load %arg1[%get3A_120, %get3A_121, %get3A_122] : memref<5x1024x9xf32, #tpu.memory_space<vmem>>, vector<1x1024x9xf32>
    %get3A_124 = vector.shape_cast %get3A_123 : vector<1x1024x9xf32> to vector<1024x9xf32>
    %get3A_125 = arith.constant 0 : index
    %get3A_126 = arith.constant 0 : index
    %get3A_127 = vector.load %arg2[%get3A_125, %get3A_126] : memref<9x128xf32, #tpu.memory_space<vmem>>, vector<9x128xf32>
    %dot_general3A_128 = arith.constant dense<0.000000e+00> : vector<1024x128xf32>
    %dot_general3A_129 = tpu.matmul %get3A_124, %get3A_127, %dot_general3A_128 {dimension_numbers = #tpu.dot_dimension_numbers<[1], [0], [0], [1], [0, 0, 1, 1], [], []>, transpose_lhs_hint = false} : vector<1024x9xf32>, vector<9x128xf32>, vector<1024x128xf32> -> vector<1024x128xf32>
    %get3A_130 = arith.constant 0 : index
    %get3A_131 = arith.constant 0 : index
    %get3A_132 = vector.load %arg3[%get3A_130, %get3A_131] : memref<1x128xf32, #tpu.memory_space<vmem>>, vector<1x128xf32>
    %add3A_133 = vector.broadcast %get3A_132 : vector<1x128xf32> to vector<1024x128xf32>
    %add3A_134 = arith.addf %dot_general3A_129, %add3A_133 : vector<1024x128xf32>
    %get3A_135 = arith.constant 0 : index
    %get3A_136 = arith.constant 0 : index
    %get3A_137 = vector.load %arg4[%get3A_135, %get3A_136] : memref<128x512xf32, #tpu.memory_space<vmem>>, vector<128x512xf32>
    %get3A_138 = arith.constant 0 : index
    %get3A_139 = arith.constant 0 : index
    %get3A_140 = vector.load %arg5[%get3A_138, %get3A_139] : memref<1x512xf32, #tpu.memory_space<vmem>>, vector<1x512xf32>
    %get3A_141 = arith.constant 0 : index
    %get3A_142 = arith.constant 0 : index
    %get3A_143 = vector.load %arg6[%get3A_141, %get3A_142] : memref<128x512xf32, #tpu.memory_space<vmem>>, vector<128x512xf32>
    %get3A_144 = arith.constant 0 : index
    %get3A_145 = arith.constant 0 : index
    %get3A_146 = vector.load %arg7[%get3A_144, %get3A_145] : memref<1x512xf32, #tpu.memory_space<vmem>>, vector<1x512xf32>
    %dot_general3A_147 = arith.constant dense<0.000000e+00> : vector<1024x512xf32>
    %dot_general3A_148 = tpu.matmul %add3A_134, %get3A_137, %dot_general3A_147 {dimension_numbers = #tpu.dot_dimension_numbers<[1], [0], [0], [1], [0, 0, 1, 1], [], []>, transpose_lhs_hint = false} : vector<1024x128xf32>, vector<128x512xf32>, vector<1024x512xf32> -> vector<1024x512xf32>
    %add3A_149 = vector.broadcast %get3A_140 : vector<1x512xf32> to vector<1024x512xf32>
    %add3A_150 = arith.addf %dot_general3A_148, %add3A_149 : vector<1024x512xf32>
    %dot_general3A_151 = arith.constant dense<0.000000e+00> : vector<1024x512xf32>
    %dot_general3A_152 = tpu.matmul %mul3A_70, %get3A_143, %dot_general3A_151 {dimension_numbers = #tpu.dot_dimension_numbers<[1], [0], [0], [1], [0, 0, 1, 1], [], []>, transpose_lhs_hint = false} : vector<1024x128xf32>, vector<128x512xf32>, vector<1024x512xf32> -> vector<1024x512xf32>
    %add3A_153 = arith.addf %add3A_150, %dot_general3A_152 : vector<1024x512xf32>
    %add3A_154 = vector.broadcast %get3A_146 : vector<1x512xf32> to vector<1024x512xf32>
    %add3A_155 = arith.addf %add3A_153, %add3A_154 : vector<1024x512xf32>
    %slice3A_156 = vector.extract_strided_slice %add3A_155 {offsets = [0, 0], sizes = [1024, 128], strides = [1, 1]} : vector<1024x512xf32> to vector<1024x128xf32>
    %slice3A_157 = vector.extract_strided_slice %add3A_155 {offsets = [0, 128], sizes = [1024, 128], strides = [1, 1]} : vector<1024x512xf32> to vector<1024x128xf32>
    %slice3A_158 = vector.extract_strided_slice %add3A_155 {offsets = [0, 256], sizes = [1024, 128], strides = [1, 1]} : vector<1024x512xf32> to vector<1024x128xf32>
    %slice3A_159 = vector.extract_strided_slice %add3A_155 {offsets = [0, 384], sizes = [1024, 128], strides = [1, 1]} : vector<1024x512xf32> to vector<1024x128xf32>
    %logistic3A_160 = arith.negf %slice3A_157 : vector<1024x128xf32>
    %logistic3A_161 = math.exp %logistic3A_160 : vector<1024x128xf32>
    %logistic3A_162 = arith.constant 1.000000e+00 : f32
    %logistic3A_163 = vector.broadcast %logistic3A_162 : f32 to vector<1024x128xf32>
    %logistic3A_164 = arith.addf %logistic3A_163, %logistic3A_161 : vector<1024x128xf32>
    %logistic3A_165 = arith.divf %logistic3A_163, %logistic3A_164 : vector<1024x128xf32>
    %mul3A_166 = arith.mulf %logistic3A_165, %add3A_62 : vector<1024x128xf32>
    %logistic3A_167 = arith.negf %slice3A_156 : vector<1024x128xf32>
    %logistic3A_168 = math.exp %logistic3A_167 : vector<1024x128xf32>
    %logistic3A_169 = arith.constant 1.000000e+00 : f32
    %logistic3A_170 = vector.broadcast %logistic3A_169 : f32 to vector<1024x128xf32>
    %logistic3A_171 = arith.addf %logistic3A_170, %logistic3A_168 : vector<1024x128xf32>
    %logistic3A_172 = arith.divf %logistic3A_170, %logistic3A_171 : vector<1024x128xf32>
    %tanh3A_173 = math.tanh %slice3A_158 : vector<1024x128xf32>
    %mul3A_174 = arith.mulf %logistic3A_172, %tanh3A_173 : vector<1024x128xf32>
    %add3A_175 = arith.addf %mul3A_166, %mul3A_174 : vector<1024x128xf32>
    %logistic3A_176 = arith.negf %slice3A_159 : vector<1024x128xf32>
    %logistic3A_177 = math.exp %logistic3A_176 : vector<1024x128xf32>
    %logistic3A_178 = arith.constant 1.000000e+00 : f32
    %logistic3A_179 = vector.broadcast %logistic3A_178 : f32 to vector<1024x128xf32>
    %logistic3A_180 = arith.addf %logistic3A_179, %logistic3A_177 : vector<1024x128xf32>
    %logistic3A_181 = arith.divf %logistic3A_179, %logistic3A_180 : vector<1024x128xf32>
    %tanh3A_182 = math.tanh %add3A_175 : vector<1024x128xf32>
    %mul3A_183 = arith.mulf %logistic3A_181, %tanh3A_182 : vector<1024x128xf32>
    %get3A_184 = arith.constant 0 : index
    %get3A_185 = arith.constant 0 : index
    %get3A_186 = vector.load %arg8[%get3A_184, %get3A_185] : memref<128x512xf32, #tpu.memory_space<vmem>>, vector<128x512xf32>
    %get3A_187 = arith.constant 0 : index
    %get3A_188 = arith.constant 0 : index
    %get3A_189 = vector.load %arg9[%get3A_187, %get3A_188] : memref<1x512xf32, #tpu.memory_space<vmem>>, vector<1x512xf32>
    %get3A_190 = arith.constant 0 : index
    %get3A_191 = arith.constant 0 : index
    %get3A_192 = vector.load %arg10[%get3A_190, %get3A_191] : memref<128x512xf32, #tpu.memory_space<vmem>>, vector<128x512xf32>
    %get3A_193 = arith.constant 0 : index
    %get3A_194 = arith.constant 0 : index
    %get3A_195 = vector.load %arg11[%get3A_193, %get3A_194] : memref<1x512xf32, #tpu.memory_space<vmem>>, vector<1x512xf32>
    %dot_general3A_196 = arith.constant dense<0.000000e+00> : vector<1024x512xf32>
    %dot_general3A_197 = tpu.matmul %mul3A_183, %get3A_186, %dot_general3A_196 {dimension_numbers = #tpu.dot_dimension_numbers<[1], [0], [0], [1], [0, 0, 1, 1], [], []>, transpose_lhs_hint = false} : vector<1024x128xf32>, vector<128x512xf32>, vector<1024x512xf32> -> vector<1024x512xf32>
    %add3A_198 = vector.broadcast %get3A_189 : vector<1x512xf32> to vector<1024x512xf32>
    %add3A_199 = arith.addf %dot_general3A_197, %add3A_198 : vector<1024x512xf32>
    %dot_general3A_200 = arith.constant dense<0.000000e+00> : vector<1024x512xf32>
    %dot_general3A_201 = tpu.matmul %mul3A_119, %get3A_192, %dot_general3A_200 {dimension_numbers = #tpu.dot_dimension_numbers<[1], [0], [0], [1], [0, 0, 1, 1], [], []>, transpose_lhs_hint = false} : vector<1024x128xf32>, vector<128x512xf32>, vector<1024x512xf32> -> vector<1024x512xf32>
    %add3A_202 = arith.addf %add3A_199, %dot_general3A_201 : vector<1024x512xf32>
    %add3A_203 = vector.broadcast %get3A_195 : vector<1x512xf32> to vector<1024x512xf32>
    %add3A_204 = arith.addf %add3A_202, %add3A_203 : vector<1024x512xf32>
    %slice3A_205 = vector.extract_strided_slice %add3A_204 {offsets = [0, 0], sizes = [1024, 128], strides = [1, 1]} : vector<1024x512xf32> to vector<1024x128xf32>
    %slice3A_206 = vector.extract_strided_slice %add3A_204 {offsets = [0, 128], sizes = [1024, 128], strides = [1, 1]} : vector<1024x512xf32> to vector<1024x128xf32>
    %slice3A_207 = vector.extract_strided_slice %add3A_204 {offsets = [0, 256], sizes = [1024, 128], strides = [1, 1]} : vector<1024x512xf32> to vector<1024x128xf32>
    %slice3A_208 = vector.extract_strided_slice %add3A_204 {offsets = [0, 384], sizes = [1024, 128], strides = [1, 1]} : vector<1024x512xf32> to vector<1024x128xf32>
    %logistic3A_209 = arith.negf %slice3A_206 : vector<1024x128xf32>
    %logistic3A_210 = math.exp %logistic3A_209 : vector<1024x128xf32>
    %logistic3A_211 = arith.constant 1.000000e+00 : f32
    %logistic3A_212 = vector.broadcast %logistic3A_211 : f32 to vector<1024x128xf32>
    %logistic3A_213 = arith.addf %logistic3A_212, %logistic3A_210 : vector<1024x128xf32>
    %logistic3A_214 = arith.divf %logistic3A_212, %logistic3A_213 : vector<1024x128xf32>
    %mul3A_215 = arith.mulf %logistic3A_214, %add3A_111 : vector<1024x128xf32>
    %logistic3A_216 = arith.negf %slice3A_205 : vector<1024x128xf32>
    %logistic3A_217 = math.exp %logistic3A_216 : vector<1024x128xf32>
    %logistic3A_218 = arith.constant 1.000000e+00 : f32
    %logistic3A_219 = vector.broadcast %logistic3A_218 : f32 to vector<1024x128xf32>
    %logistic3A_220 = arith.addf %logistic3A_219, %logistic3A_217 : vector<1024x128xf32>
    %logistic3A_221 = arith.divf %logistic3A_219, %logistic3A_220 : vector<1024x128xf32>
    %tanh3A_222 = math.tanh %slice3A_207 : vector<1024x128xf32>
    %mul3A_223 = arith.mulf %logistic3A_221, %tanh3A_222 : vector<1024x128xf32>
    %add3A_224 = arith.addf %mul3A_215, %mul3A_223 : vector<1024x128xf32>
    %logistic3A_225 = arith.negf %slice3A_208 : vector<1024x128xf32>
    %logistic3A_226 = math.exp %logistic3A_225 : vector<1024x128xf32>
    %logistic3A_227 = arith.constant 1.000000e+00 : f32
    %logistic3A_228 = vector.broadcast %logistic3A_227 : f32 to vector<1024x128xf32>
    %logistic3A_229 = arith.addf %logistic3A_228, %logistic3A_226 : vector<1024x128xf32>
    %logistic3A_230 = arith.divf %logistic3A_228, %logistic3A_229 : vector<1024x128xf32>
    %tanh3A_231 = math.tanh %add3A_224 : vector<1024x128xf32>
    %mul3A_232 = arith.mulf %logistic3A_230, %tanh3A_231 : vector<1024x128xf32>
    %get3A_233 = arith.constant 2 : index
    %get3A_234 = arith.constant 0 : index
    %get3A_235 = arith.constant 0 : index
    %get3A_236 = vector.load %arg1[%get3A_233, %get3A_234, %get3A_235] : memref<5x1024x9xf32, #tpu.memory_space<vmem>>, vector<1x1024x9xf32>
    %get3A_237 = vector.shape_cast %get3A_236 : vector<1x1024x9xf32> to vector<1024x9xf32>
    %get3A_238 = arith.constant 0 : index
    %get3A_239 = arith.constant 0 : index
    %get3A_240 = vector.load %arg2[%get3A_238, %get3A_239] : memref<9x128xf32, #tpu.memory_space<vmem>>, vector<9x128xf32>
    %dot_general3A_241 = arith.constant dense<0.000000e+00> : vector<1024x128xf32>
    %dot_general3A_242 = tpu.matmul %get3A_237, %get3A_240, %dot_general3A_241 {dimension_numbers = #tpu.dot_dimension_numbers<[1], [0], [0], [1], [0, 0, 1, 1], [], []>, transpose_lhs_hint = false} : vector<1024x9xf32>, vector<9x128xf32>, vector<1024x128xf32> -> vector<1024x128xf32>
    %get3A_243 = arith.constant 0 : index
    %get3A_244 = arith.constant 0 : index
    %get3A_245 = vector.load %arg3[%get3A_243, %get3A_244] : memref<1x128xf32, #tpu.memory_space<vmem>>, vector<1x128xf32>
    %add3A_246 = vector.broadcast %get3A_245 : vector<1x128xf32> to vector<1024x128xf32>
    %add3A_247 = arith.addf %dot_general3A_242, %add3A_246 : vector<1024x128xf32>
    %get3A_248 = arith.constant 0 : index
    %get3A_249 = arith.constant 0 : index
    %get3A_250 = vector.load %arg4[%get3A_248, %get3A_249] : memref<128x512xf32, #tpu.memory_space<vmem>>, vector<128x512xf32>
    %get3A_251 = arith.constant 0 : index
    %get3A_252 = arith.constant 0 : index
    %get3A_253 = vector.load %arg5[%get3A_251, %get3A_252] : memref<1x512xf32, #tpu.memory_space<vmem>>, vector<1x512xf32>
    %get3A_254 = arith.constant 0 : index
    %get3A_255 = arith.constant 0 : index
    %get3A_256 = vector.load %arg6[%get3A_254, %get3A_255] : memref<128x512xf32, #tpu.memory_space<vmem>>, vector<128x512xf32>
    %get3A_257 = arith.constant 0 : index
    %get3A_258 = arith.constant 0 : index
    %get3A_259 = vector.load %arg7[%get3A_257, %get3A_258] : memref<1x512xf32, #tpu.memory_space<vmem>>, vector<1x512xf32>
    %dot_general3A_260 = arith.constant dense<0.000000e+00> : vector<1024x512xf32>
    %dot_general3A_261 = tpu.matmul %add3A_247, %get3A_250, %dot_general3A_260 {dimension_numbers = #tpu.dot_dimension_numbers<[1], [0], [0], [1], [0, 0, 1, 1], [], []>, transpose_lhs_hint = false} : vector<1024x128xf32>, vector<128x512xf32>, vector<1024x512xf32> -> vector<1024x512xf32>
    %add3A_262 = vector.broadcast %get3A_253 : vector<1x512xf32> to vector<1024x512xf32>
    %add3A_263 = arith.addf %dot_general3A_261, %add3A_262 : vector<1024x512xf32>
    %dot_general3A_264 = arith.constant dense<0.000000e+00> : vector<1024x512xf32>
    %dot_general3A_265 = tpu.matmul %mul3A_183, %get3A_256, %dot_general3A_264 {dimension_numbers = #tpu.dot_dimension_numbers<[1], [0], [0], [1], [0, 0, 1, 1], [], []>, transpose_lhs_hint = false} : vector<1024x128xf32>, vector<128x512xf32>, vector<1024x512xf32> -> vector<1024x512xf32>
    %add3A_266 = arith.addf %add3A_263, %dot_general3A_265 : vector<1024x512xf32>
    %add3A_267 = vector.broadcast %get3A_259 : vector<1x512xf32> to vector<1024x512xf32>
    %add3A_268 = arith.addf %add3A_266, %add3A_267 : vector<1024x512xf32>
    %slice3A_269 = vector.extract_strided_slice %add3A_268 {offsets = [0, 0], sizes = [1024, 128], strides = [1, 1]} : vector<1024x512xf32> to vector<1024x128xf32>
    %slice3A_270 = vector.extract_strided_slice %add3A_268 {offsets = [0, 128], sizes = [1024, 128], strides = [1, 1]} : vector<1024x512xf32> to vector<1024x128xf32>
    %slice3A_271 = vector.extract_strided_slice %add3A_268 {offsets = [0, 256], sizes = [1024, 128], strides = [1, 1]} : vector<1024x512xf32> to vector<1024x128xf32>
    %slice3A_272 = vector.extract_strided_slice %add3A_268 {offsets = [0, 384], sizes = [1024, 128], strides = [1, 1]} : vector<1024x512xf32> to vector<1024x128xf32>
    %logistic3A_273 = arith.negf %slice3A_270 : vector<1024x128xf32>
    %logistic3A_274 = math.exp %logistic3A_273 : vector<1024x128xf32>
    %logistic3A_275 = arith.constant 1.000000e+00 : f32
    %logistic3A_276 = vector.broadcast %logistic3A_275 : f32 to vector<1024x128xf32>
    %logistic3A_277 = arith.addf %logistic3A_276, %logistic3A_274 : vector<1024x128xf32>
    %logistic3A_278 = arith.divf %logistic3A_276, %logistic3A_277 : vector<1024x128xf32>
    %mul3A_279 = arith.mulf %logistic3A_278, %add3A_175 : vector<1024x128xf32>
    %logistic3A_280 = arith.negf %slice3A_269 : vector<1024x128xf32>
    %logistic3A_281 = math.exp %logistic3A_280 : vector<1024x128xf32>
    %logistic3A_282 = arith.constant 1.000000e+00 : f32
    %logistic3A_283 = vector.broadcast %logistic3A_282 : f32 to vector<1024x128xf32>
    %logistic3A_284 = arith.addf %logistic3A_283, %logistic3A_281 : vector<1024x128xf32>
    %logistic3A_285 = arith.divf %logistic3A_283, %logistic3A_284 : vector<1024x128xf32>
    %tanh3A_286 = math.tanh %slice3A_271 : vector<1024x128xf32>
    %mul3A_287 = arith.mulf %logistic3A_285, %tanh3A_286 : vector<1024x128xf32>
    %add3A_288 = arith.addf %mul3A_279, %mul3A_287 : vector<1024x128xf32>
    %logistic3A_289 = arith.negf %slice3A_272 : vector<1024x128xf32>
    %logistic3A_290 = math.exp %logistic3A_289 : vector<1024x128xf32>
    %logistic3A_291 = arith.constant 1.000000e+00 : f32
    %logistic3A_292 = vector.broadcast %logistic3A_291 : f32 to vector<1024x128xf32>
    %logistic3A_293 = arith.addf %logistic3A_292, %logistic3A_290 : vector<1024x128xf32>
    %logistic3A_294 = arith.divf %logistic3A_292, %logistic3A_293 : vector<1024x128xf32>
    %tanh3A_295 = math.tanh %add3A_288 : vector<1024x128xf32>
    %mul3A_296 = arith.mulf %logistic3A_294, %tanh3A_295 : vector<1024x128xf32>
    %get3A_297 = arith.constant 0 : index
    %get3A_298 = arith.constant 0 : index
    %get3A_299 = vector.load %arg8[%get3A_297, %get3A_298] : memref<128x512xf32, #tpu.memory_space<vmem>>, vector<128x512xf32>
    %get3A_300 = arith.constant 0 : index
    %get3A_301 = arith.constant 0 : index
    %get3A_302 = vector.load %arg9[%get3A_300, %get3A_301] : memref<1x512xf32, #tpu.memory_space<vmem>>, vector<1x512xf32>
    %get3A_303 = arith.constant 0 : index
    %get3A_304 = arith.constant 0 : index
    %get3A_305 = vector.load %arg10[%get3A_303, %get3A_304] : memref<128x512xf32, #tpu.memory_space<vmem>>, vector<128x512xf32>
    %get3A_306 = arith.constant 0 : index
    %get3A_307 = arith.constant 0 : index
    %get3A_308 = vector.load %arg11[%get3A_306, %get3A_307] : memref<1x512xf32, #tpu.memory_space<vmem>>, vector<1x512xf32>
    %dot_general3A_309 = arith.constant dense<0.000000e+00> : vector<1024x512xf32>
    %dot_general3A_310 = tpu.matmul %mul3A_296, %get3A_299, %dot_general3A_309 {dimension_numbers = #tpu.dot_dimension_numbers<[1], [0], [0], [1], [0, 0, 1, 1], [], []>, transpose_lhs_hint = false} : vector<1024x128xf32>, vector<128x512xf32>, vector<1024x512xf32> -> vector<1024x512xf32>
    %add3A_311 = vector.broadcast %get3A_302 : vector<1x512xf32> to vector<1024x512xf32>
    %add3A_312 = arith.addf %dot_general3A_310, %add3A_311 : vector<1024x512xf32>
    %dot_general3A_313 = arith.constant dense<0.000000e+00> : vector<1024x512xf32>
    %dot_general3A_314 = tpu.matmul %mul3A_232, %get3A_305, %dot_general3A_313 {dimension_numbers = #tpu.dot_dimension_numbers<[1], [0], [0], [1], [0, 0, 1, 1], [], []>, transpose_lhs_hint = false} : vector<1024x128xf32>, vector<128x512xf32>, vector<1024x512xf32> -> vector<1024x512xf32>
    %add3A_315 = arith.addf %add3A_312, %dot_general3A_314 : vector<1024x512xf32>
    %add3A_316 = vector.broadcast %get3A_308 : vector<1x512xf32> to vector<1024x512xf32>
    %add3A_317 = arith.addf %add3A_315, %add3A_316 : vector<1024x512xf32>
    %slice3A_318 = vector.extract_strided_slice %add3A_317 {offsets = [0, 0], sizes = [1024, 128], strides = [1, 1]} : vector<1024x512xf32> to vector<1024x128xf32>
    %slice3A_319 = vector.extract_strided_slice %add3A_317 {offsets = [0, 128], sizes = [1024, 128], strides = [1, 1]} : vector<1024x512xf32> to vector<1024x128xf32>
    %slice3A_320 = vector.extract_strided_slice %add3A_317 {offsets = [0, 256], sizes = [1024, 128], strides = [1, 1]} : vector<1024x512xf32> to vector<1024x128xf32>
    %slice3A_321 = vector.extract_strided_slice %add3A_317 {offsets = [0, 384], sizes = [1024, 128], strides = [1, 1]} : vector<1024x512xf32> to vector<1024x128xf32>
    %logistic3A_322 = arith.negf %slice3A_319 : vector<1024x128xf32>
    %logistic3A_323 = math.exp %logistic3A_322 : vector<1024x128xf32>
    %logistic3A_324 = arith.constant 1.000000e+00 : f32
    %logistic3A_325 = vector.broadcast %logistic3A_324 : f32 to vector<1024x128xf32>
    %logistic3A_326 = arith.addf %logistic3A_325, %logistic3A_323 : vector<1024x128xf32>
    %logistic3A_327 = arith.divf %logistic3A_325, %logistic3A_326 : vector<1024x128xf32>
    %mul3A_328 = arith.mulf %logistic3A_327, %add3A_224 : vector<1024x128xf32>
    %logistic3A_329 = arith.negf %slice3A_318 : vector<1024x128xf32>
    %logistic3A_330 = math.exp %logistic3A_329 : vector<1024x128xf32>
    %logistic3A_331 = arith.constant 1.000000e+00 : f32
    %logistic3A_332 = vector.broadcast %logistic3A_331 : f32 to vector<1024x128xf32>
    %logistic3A_333 = arith.addf %logistic3A_332, %logistic3A_330 : vector<1024x128xf32>
    %logistic3A_334 = arith.divf %logistic3A_332, %logistic3A_333 : vector<1024x128xf32>
    %tanh3A_335 = math.tanh %slice3A_320 : vector<1024x128xf32>
    %mul3A_336 = arith.mulf %logistic3A_334, %tanh3A_335 : vector<1024x128xf32>
    %add3A_337 = arith.addf %mul3A_328, %mul3A_336 : vector<1024x128xf32>
    %logistic3A_338 = arith.negf %slice3A_321 : vector<1024x128xf32>
    %logistic3A_339 = math.exp %logistic3A_338 : vector<1024x128xf32>
    %logistic3A_340 = arith.constant 1.000000e+00 : f32
    %logistic3A_341 = vector.broadcast %logistic3A_340 : f32 to vector<1024x128xf32>
    %logistic3A_342 = arith.addf %logistic3A_341, %logistic3A_339 : vector<1024x128xf32>
    %logistic3A_343 = arith.divf %logistic3A_341, %logistic3A_342 : vector<1024x128xf32>
    %tanh3A_344 = math.tanh %add3A_337 : vector<1024x128xf32>
    %mul3A_345 = arith.mulf %logistic3A_343, %tanh3A_344 : vector<1024x128xf32>
    %get3A_346 = arith.constant 3 : index
    %get3A_347 = arith.constant 0 : index
    %get3A_348 = arith.constant 0 : index
    %get3A_349 = vector.load %arg1[%get3A_346, %get3A_347, %get3A_348] : memref<5x1024x9xf32, #tpu.memory_space<vmem>>, vector<1x1024x9xf32>
    %get3A_350 = vector.shape_cast %get3A_349 : vector<1x1024x9xf32> to vector<1024x9xf32>
    %get3A_351 = arith.constant 0 : index
    %get3A_352 = arith.constant 0 : index
    %get3A_353 = vector.load %arg2[%get3A_351, %get3A_352] : memref<9x128xf32, #tpu.memory_space<vmem>>, vector<9x128xf32>
    %dot_general3A_354 = arith.constant dense<0.000000e+00> : vector<1024x128xf32>
    %dot_general3A_355 = tpu.matmul %get3A_350, %get3A_353, %dot_general3A_354 {dimension_numbers = #tpu.dot_dimension_numbers<[1], [0], [0], [1], [0, 0, 1, 1], [], []>, transpose_lhs_hint = false} : vector<1024x9xf32>, vector<9x128xf32>, vector<1024x128xf32> -> vector<1024x128xf32>
    %get3A_356 = arith.constant 0 : index
    %get3A_357 = arith.constant 0 : index
    %get3A_358 = vector.load %arg3[%get3A_356, %get3A_357] : memref<1x128xf32, #tpu.memory_space<vmem>>, vector<1x128xf32>
    %add3A_359 = vector.broadcast %get3A_358 : vector<1x128xf32> to vector<1024x128xf32>
    %add3A_360 = arith.addf %dot_general3A_355, %add3A_359 : vector<1024x128xf32>
    %get3A_361 = arith.constant 0 : index
    %get3A_362 = arith.constant 0 : index
    %get3A_363 = vector.load %arg4[%get3A_361, %get3A_362] : memref<128x512xf32, #tpu.memory_space<vmem>>, vector<128x512xf32>
    %get3A_364 = arith.constant 0 : index
    %get3A_365 = arith.constant 0 : index
    %get3A_366 = vector.load %arg5[%get3A_364, %get3A_365] : memref<1x512xf32, #tpu.memory_space<vmem>>, vector<1x512xf32>
    %get3A_367 = arith.constant 0 : index
    %get3A_368 = arith.constant 0 : index
    %get3A_369 = vector.load %arg6[%get3A_367, %get3A_368] : memref<128x512xf32, #tpu.memory_space<vmem>>, vector<128x512xf32>
    %get3A_370 = arith.constant 0 : index
    %get3A_371 = arith.constant 0 : index
    %get3A_372 = vector.load %arg7[%get3A_370, %get3A_371] : memref<1x512xf32, #tpu.memory_space<vmem>>, vector<1x512xf32>
    %dot_general3A_373 = arith.constant dense<0.000000e+00> : vector<1024x512xf32>
    %dot_general3A_374 = tpu.matmul %add3A_360, %get3A_363, %dot_general3A_373 {dimension_numbers = #tpu.dot_dimension_numbers<[1], [0], [0], [1], [0, 0, 1, 1], [], []>, transpose_lhs_hint = false} : vector<1024x128xf32>, vector<128x512xf32>, vector<1024x512xf32> -> vector<1024x512xf32>
    %add3A_375 = vector.broadcast %get3A_366 : vector<1x512xf32> to vector<1024x512xf32>
    %add3A_376 = arith.addf %dot_general3A_374, %add3A_375 : vector<1024x512xf32>
    %dot_general3A_377 = arith.constant dense<0.000000e+00> : vector<1024x512xf32>
    %dot_general3A_378 = tpu.matmul %mul3A_296, %get3A_369, %dot_general3A_377 {dimension_numbers = #tpu.dot_dimension_numbers<[1], [0], [0], [1], [0, 0, 1, 1], [], []>, transpose_lhs_hint = false} : vector<1024x128xf32>, vector<128x512xf32>, vector<1024x512xf32> -> vector<1024x512xf32>
    %add3A_379 = arith.addf %add3A_376, %dot_general3A_378 : vector<1024x512xf32>
    %add3A_380 = vector.broadcast %get3A_372 : vector<1x512xf32> to vector<1024x512xf32>
    %add3A_381 = arith.addf %add3A_379, %add3A_380 : vector<1024x512xf32>
    %slice3A_382 = vector.extract_strided_slice %add3A_381 {offsets = [0, 0], sizes = [1024, 128], strides = [1, 1]} : vector<1024x512xf32> to vector<1024x128xf32>
    %slice3A_383 = vector.extract_strided_slice %add3A_381 {offsets = [0, 128], sizes = [1024, 128], strides = [1, 1]} : vector<1024x512xf32> to vector<1024x128xf32>
    %slice3A_384 = vector.extract_strided_slice %add3A_381 {offsets = [0, 256], sizes = [1024, 128], strides = [1, 1]} : vector<1024x512xf32> to vector<1024x128xf32>
    %slice3A_385 = vector.extract_strided_slice %add3A_381 {offsets = [0, 384], sizes = [1024, 128], strides = [1, 1]} : vector<1024x512xf32> to vector<1024x128xf32>
    %logistic3A_386 = arith.negf %slice3A_383 : vector<1024x128xf32>
    %logistic3A_387 = math.exp %logistic3A_386 : vector<1024x128xf32>
    %logistic3A_388 = arith.constant 1.000000e+00 : f32
    %logistic3A_389 = vector.broadcast %logistic3A_388 : f32 to vector<1024x128xf32>
    %logistic3A_390 = arith.addf %logistic3A_389, %logistic3A_387 : vector<1024x128xf32>
    %logistic3A_391 = arith.divf %logistic3A_389, %logistic3A_390 : vector<1024x128xf32>
    %mul3A_392 = arith.mulf %logistic3A_391, %add3A_288 : vector<1024x128xf32>
    %logistic3A_393 = arith.negf %slice3A_382 : vector<1024x128xf32>
    %logistic3A_394 = math.exp %logistic3A_393 : vector<1024x128xf32>
    %logistic3A_395 = arith.constant 1.000000e+00 : f32
    %logistic3A_396 = vector.broadcast %logistic3A_395 : f32 to vector<1024x128xf32>
    %logistic3A_397 = arith.addf %logistic3A_396, %logistic3A_394 : vector<1024x128xf32>
    %logistic3A_398 = arith.divf %logistic3A_396, %logistic3A_397 : vector<1024x128xf32>
    %tanh3A_399 = math.tanh %slice3A_384 : vector<1024x128xf32>
    %mul3A_400 = arith.mulf %logistic3A_398, %tanh3A_399 : vector<1024x128xf32>
    %add3A_401 = arith.addf %mul3A_392, %mul3A_400 : vector<1024x128xf32>
    %logistic3A_402 = arith.negf %slice3A_385 : vector<1024x128xf32>
    %logistic3A_403 = math.exp %logistic3A_402 : vector<1024x128xf32>
    %logistic3A_404 = arith.constant 1.000000e+00 : f32
    %logistic3A_405 = vector.broadcast %logistic3A_404 : f32 to vector<1024x128xf32>
    %logistic3A_406 = arith.addf %logistic3A_405, %logistic3A_403 : vector<1024x128xf32>
    %logistic3A_407 = arith.divf %logistic3A_405, %logistic3A_406 : vector<1024x128xf32>
    %tanh3A_408 = math.tanh %add3A_401 : vector<1024x128xf32>
    %mul3A_409 = arith.mulf %logistic3A_407, %tanh3A_408 : vector<1024x128xf32>
    %get3A_410 = arith.constant 0 : index
    %get3A_411 = arith.constant 0 : index
    %get3A_412 = vector.load %arg8[%get3A_410, %get3A_411] : memref<128x512xf32, #tpu.memory_space<vmem>>, vector<128x512xf32>
    %get3A_413 = arith.constant 0 : index
    %get3A_414 = arith.constant 0 : index
    %get3A_415 = vector.load %arg9[%get3A_413, %get3A_414] : memref<1x512xf32, #tpu.memory_space<vmem>>, vector<1x512xf32>
    %get3A_416 = arith.constant 0 : index
    %get3A_417 = arith.constant 0 : index
    %get3A_418 = vector.load %arg10[%get3A_416, %get3A_417] : memref<128x512xf32, #tpu.memory_space<vmem>>, vector<128x512xf32>
    %get3A_419 = arith.constant 0 : index
    %get3A_420 = arith.constant 0 : index
    %get3A_421 = vector.load %arg11[%get3A_419, %get3A_420] : memref<1x512xf32, #tpu.memory_space<vmem>>, vector<1x512xf32>
    %dot_general3A_422 = arith.constant dense<0.000000e+00> : vector<1024x512xf32>
    %dot_general3A_423 = tpu.matmul %mul3A_409, %get3A_412, %dot_general3A_422 {dimension_numbers = #tpu.dot_dimension_numbers<[1], [0], [0], [1], [0, 0, 1, 1], [], []>, transpose_lhs_hint = false} : vector<1024x128xf32>, vector<128x512xf32>, vector<1024x512xf32> -> vector<1024x512xf32>
    %add3A_424 = vector.broadcast %get3A_415 : vector<1x512xf32> to vector<1024x512xf32>
    %add3A_425 = arith.addf %dot_general3A_423, %add3A_424 : vector<1024x512xf32>
    %dot_general3A_426 = arith.constant dense<0.000000e+00> : vector<1024x512xf32>
    %dot_general3A_427 = tpu.matmul %mul3A_345, %get3A_418, %dot_general3A_426 {dimension_numbers = #tpu.dot_dimension_numbers<[1], [0], [0], [1], [0, 0, 1, 1], [], []>, transpose_lhs_hint = false} : vector<1024x128xf32>, vector<128x512xf32>, vector<1024x512xf32> -> vector<1024x512xf32>
    %add3A_428 = arith.addf %add3A_425, %dot_general3A_427 : vector<1024x512xf32>
    %add3A_429 = vector.broadcast %get3A_421 : vector<1x512xf32> to vector<1024x512xf32>
    %add3A_430 = arith.addf %add3A_428, %add3A_429 : vector<1024x512xf32>
    %slice3A_431 = vector.extract_strided_slice %add3A_430 {offsets = [0, 0], sizes = [1024, 128], strides = [1, 1]} : vector<1024x512xf32> to vector<1024x128xf32>
    %slice3A_432 = vector.extract_strided_slice %add3A_430 {offsets = [0, 128], sizes = [1024, 128], strides = [1, 1]} : vector<1024x512xf32> to vector<1024x128xf32>
    %slice3A_433 = vector.extract_strided_slice %add3A_430 {offsets = [0, 256], sizes = [1024, 128], strides = [1, 1]} : vector<1024x512xf32> to vector<1024x128xf32>
    %slice3A_434 = vector.extract_strided_slice %add3A_430 {offsets = [0, 384], sizes = [1024, 128], strides = [1, 1]} : vector<1024x512xf32> to vector<1024x128xf32>
    %logistic3A_435 = arith.negf %slice3A_432 : vector<1024x128xf32>
    %logistic3A_436 = math.exp %logistic3A_435 : vector<1024x128xf32>
    %logistic3A_437 = arith.constant 1.000000e+00 : f32
    %logistic3A_438 = vector.broadcast %logistic3A_437 : f32 to vector<1024x128xf32>
    %logistic3A_439 = arith.addf %logistic3A_438, %logistic3A_436 : vector<1024x128xf32>
    %logistic3A_440 = arith.divf %logistic3A_438, %logistic3A_439 : vector<1024x128xf32>
    %mul3A_441 = arith.mulf %logistic3A_440, %add3A_337 : vector<1024x128xf32>
    %logistic3A_442 = arith.negf %slice3A_431 : vector<1024x128xf32>
    %logistic3A_443 = math.exp %logistic3A_442 : vector<1024x128xf32>
    %logistic3A_444 = arith.constant 1.000000e+00 : f32
    %logistic3A_445 = vector.broadcast %logistic3A_444 : f32 to vector<1024x128xf32>
    %logistic3A_446 = arith.addf %logistic3A_445, %logistic3A_443 : vector<1024x128xf32>
    %logistic3A_447 = arith.divf %logistic3A_445, %logistic3A_446 : vector<1024x128xf32>
    %tanh3A_448 = math.tanh %slice3A_433 : vector<1024x128xf32>
    %mul3A_449 = arith.mulf %logistic3A_447, %tanh3A_448 : vector<1024x128xf32>
    %add3A_450 = arith.addf %mul3A_441, %mul3A_449 : vector<1024x128xf32>
    %logistic3A_451 = arith.negf %slice3A_434 : vector<1024x128xf32>
    %logistic3A_452 = math.exp %logistic3A_451 : vector<1024x128xf32>
    %logistic3A_453 = arith.constant 1.000000e+00 : f32
    %logistic3A_454 = vector.broadcast %logistic3A_453 : f32 to vector<1024x128xf32>
    %logistic3A_455 = arith.addf %logistic3A_454, %logistic3A_452 : vector<1024x128xf32>
    %logistic3A_456 = arith.divf %logistic3A_454, %logistic3A_455 : vector<1024x128xf32>
    %tanh3A_457 = math.tanh %add3A_450 : vector<1024x128xf32>
    %mul3A_458 = arith.mulf %logistic3A_456, %tanh3A_457 : vector<1024x128xf32>
    %get3A_459 = arith.constant 4 : index
    %get3A_460 = arith.constant 0 : index
    %get3A_461 = arith.constant 0 : index
    %get3A_462 = vector.load %arg1[%get3A_459, %get3A_460, %get3A_461] : memref<5x1024x9xf32, #tpu.memory_space<vmem>>, vector<1x1024x9xf32>
    %get3A_463 = vector.shape_cast %get3A_462 : vector<1x1024x9xf32> to vector<1024x9xf32>
    %get3A_464 = arith.constant 0 : index
    %get3A_465 = arith.constant 0 : index
    %get3A_466 = vector.load %arg2[%get3A_464, %get3A_465] : memref<9x128xf32, #tpu.memory_space<vmem>>, vector<9x128xf32>
    %dot_general3A_467 = arith.constant dense<0.000000e+00> : vector<1024x128xf32>
    %dot_general3A_468 = tpu.matmul %get3A_463, %get3A_466, %dot_general3A_467 {dimension_numbers = #tpu.dot_dimension_numbers<[1], [0], [0], [1], [0, 0, 1, 1], [], []>, transpose_lhs_hint = false} : vector<1024x9xf32>, vector<9x128xf32>, vector<1024x128xf32> -> vector<1024x128xf32>
    %get3A_469 = arith.constant 0 : index
    %get3A_470 = arith.constant 0 : index
    %get3A_471 = vector.load %arg3[%get3A_469, %get3A_470] : memref<1x128xf32, #tpu.memory_space<vmem>>, vector<1x128xf32>
    %add3A_472 = vector.broadcast %get3A_471 : vector<1x128xf32> to vector<1024x128xf32>
    %add3A_473 = arith.addf %dot_general3A_468, %add3A_472 : vector<1024x128xf32>
    %get3A_474 = arith.constant 0 : index
    %get3A_475 = arith.constant 0 : index
    %get3A_476 = vector.load %arg4[%get3A_474, %get3A_475] : memref<128x512xf32, #tpu.memory_space<vmem>>, vector<128x512xf32>
    %get3A_477 = arith.constant 0 : index
    %get3A_478 = arith.constant 0 : index
    %get3A_479 = vector.load %arg5[%get3A_477, %get3A_478] : memref<1x512xf32, #tpu.memory_space<vmem>>, vector<1x512xf32>
    %get3A_480 = arith.constant 0 : index
    %get3A_481 = arith.constant 0 : index
    %get3A_482 = vector.load %arg6[%get3A_480, %get3A_481] : memref<128x512xf32, #tpu.memory_space<vmem>>, vector<128x512xf32>
    %get3A_483 = arith.constant 0 : index
    %get3A_484 = arith.constant 0 : index
    %get3A_485 = vector.load %arg7[%get3A_483, %get3A_484] : memref<1x512xf32, #tpu.memory_space<vmem>>, vector<1x512xf32>
    %dot_general3A_486 = arith.constant dense<0.000000e+00> : vector<1024x512xf32>
    %dot_general3A_487 = tpu.matmul %add3A_473, %get3A_476, %dot_general3A_486 {dimension_numbers = #tpu.dot_dimension_numbers<[1], [0], [0], [1], [0, 0, 1, 1], [], []>, transpose_lhs_hint = false} : vector<1024x128xf32>, vector<128x512xf32>, vector<1024x512xf32> -> vector<1024x512xf32>
    %add3A_488 = vector.broadcast %get3A_479 : vector<1x512xf32> to vector<1024x512xf32>
    %add3A_489 = arith.addf %dot_general3A_487, %add3A_488 : vector<1024x512xf32>
    %dot_general3A_490 = arith.constant dense<0.000000e+00> : vector<1024x512xf32>
    %dot_general3A_491 = tpu.matmul %mul3A_409, %get3A_482, %dot_general3A_490 {dimension_numbers = #tpu.dot_dimension_numbers<[1], [0], [0], [1], [0, 0, 1, 1], [], []>, transpose_lhs_hint = false} : vector<1024x128xf32>, vector<128x512xf32>, vector<1024x512xf32> -> vector<1024x512xf32>
    %add3A_492 = arith.addf %add3A_489, %dot_general3A_491 : vector<1024x512xf32>
    %add3A_493 = vector.broadcast %get3A_485 : vector<1x512xf32> to vector<1024x512xf32>
    %add3A_494 = arith.addf %add3A_492, %add3A_493 : vector<1024x512xf32>
    %slice3A_495 = vector.extract_strided_slice %add3A_494 {offsets = [0, 0], sizes = [1024, 128], strides = [1, 1]} : vector<1024x512xf32> to vector<1024x128xf32>
    %slice3A_496 = vector.extract_strided_slice %add3A_494 {offsets = [0, 128], sizes = [1024, 128], strides = [1, 1]} : vector<1024x512xf32> to vector<1024x128xf32>
    %slice3A_497 = vector.extract_strided_slice %add3A_494 {offsets = [0, 256], sizes = [1024, 128], strides = [1, 1]} : vector<1024x512xf32> to vector<1024x128xf32>
    %slice3A_498 = vector.extract_strided_slice %add3A_494 {offsets = [0, 384], sizes = [1024, 128], strides = [1, 1]} : vector<1024x512xf32> to vector<1024x128xf32>
    %logistic3A_499 = arith.negf %slice3A_496 : vector<1024x128xf32>
    %logistic3A_500 = math.exp %logistic3A_499 : vector<1024x128xf32>
    %logistic3A_501 = arith.constant 1.000000e+00 : f32
    %logistic3A_502 = vector.broadcast %logistic3A_501 : f32 to vector<1024x128xf32>
    %logistic3A_503 = arith.addf %logistic3A_502, %logistic3A_500 : vector<1024x128xf32>
    %logistic3A_504 = arith.divf %logistic3A_502, %logistic3A_503 : vector<1024x128xf32>
    %mul3A_505 = arith.mulf %logistic3A_504, %add3A_401 : vector<1024x128xf32>
    %logistic3A_506 = arith.negf %slice3A_495 : vector<1024x128xf32>
    %logistic3A_507 = math.exp %logistic3A_506 : vector<1024x128xf32>
    %logistic3A_508 = arith.constant 1.000000e+00 : f32
    %logistic3A_509 = vector.broadcast %logistic3A_508 : f32 to vector<1024x128xf32>
    %logistic3A_510 = arith.addf %logistic3A_509, %logistic3A_507 : vector<1024x128xf32>
    %logistic3A_511 = arith.divf %logistic3A_509, %logistic3A_510 : vector<1024x128xf32>
    %tanh3A_512 = math.tanh %slice3A_497 : vector<1024x128xf32>
    %mul3A_513 = arith.mulf %logistic3A_511, %tanh3A_512 : vector<1024x128xf32>
    %add3A_514 = arith.addf %mul3A_505, %mul3A_513 : vector<1024x128xf32>
    %logistic3A_515 = arith.negf %slice3A_498 : vector<1024x128xf32>
    %logistic3A_516 = math.exp %logistic3A_515 : vector<1024x128xf32>
    %logistic3A_517 = arith.constant 1.000000e+00 : f32
    %logistic3A_518 = vector.broadcast %logistic3A_517 : f32 to vector<1024x128xf32>
    %logistic3A_519 = arith.addf %logistic3A_518, %logistic3A_516 : vector<1024x128xf32>
    %logistic3A_520 = arith.divf %logistic3A_518, %logistic3A_519 : vector<1024x128xf32>
    %tanh3A_521 = math.tanh %add3A_514 : vector<1024x128xf32>
    %mul3A_522 = arith.mulf %logistic3A_520, %tanh3A_521 : vector<1024x128xf32>
    %get3A_523 = arith.constant 0 : index
    %get3A_524 = arith.constant 0 : index
    %get3A_525 = vector.load %arg8[%get3A_523, %get3A_524] : memref<128x512xf32, #tpu.memory_space<vmem>>, vector<128x512xf32>
    %get3A_526 = arith.constant 0 : index
    %get3A_527 = arith.constant 0 : index
    %get3A_528 = vector.load %arg9[%get3A_526, %get3A_527] : memref<1x512xf32, #tpu.memory_space<vmem>>, vector<1x512xf32>
    %get3A_529 = arith.constant 0 : index
    %get3A_530 = arith.constant 0 : index
    %get3A_531 = vector.load %arg10[%get3A_529, %get3A_530] : memref<128x512xf32, #tpu.memory_space<vmem>>, vector<128x512xf32>
    %get3A_532 = arith.constant 0 : index
    %get3A_533 = arith.constant 0 : index
    %get3A_534 = vector.load %arg11[%get3A_532, %get3A_533] : memref<1x512xf32, #tpu.memory_space<vmem>>, vector<1x512xf32>
    %dot_general3A_535 = arith.constant dense<0.000000e+00> : vector<1024x512xf32>
    %dot_general3A_536 = tpu.matmul %mul3A_522, %get3A_525, %dot_general3A_535 {dimension_numbers = #tpu.dot_dimension_numbers<[1], [0], [0], [1], [0, 0, 1, 1], [], []>, transpose_lhs_hint = false} : vector<1024x128xf32>, vector<128x512xf32>, vector<1024x512xf32> -> vector<1024x512xf32>
    %add3A_537 = vector.broadcast %get3A_528 : vector<1x512xf32> to vector<1024x512xf32>
    %add3A_538 = arith.addf %dot_general3A_536, %add3A_537 : vector<1024x512xf32>
    %dot_general3A_539 = arith.constant dense<0.000000e+00> : vector<1024x512xf32>
    %dot_general3A_540 = tpu.matmul %mul3A_458, %get3A_531, %dot_general3A_539 {dimension_numbers = #tpu.dot_dimension_numbers<[1], [0], [0], [1], [0, 0, 1, 1], [], []>, transpose_lhs_hint = false} : vector<1024x128xf32>, vector<128x512xf32>, vector<1024x512xf32> -> vector<1024x512xf32>
    %add3A_541 = arith.addf %add3A_538, %dot_general3A_540 : vector<1024x512xf32>
    %add3A_542 = vector.broadcast %get3A_534 : vector<1x512xf32> to vector<1024x512xf32>
    %add3A_543 = arith.addf %add3A_541, %add3A_542 : vector<1024x512xf32>
    %slice3A_544 = vector.extract_strided_slice %add3A_543 {offsets = [0, 0], sizes = [1024, 128], strides = [1, 1]} : vector<1024x512xf32> to vector<1024x128xf32>
    %slice3A_545 = vector.extract_strided_slice %add3A_543 {offsets = [0, 128], sizes = [1024, 128], strides = [1, 1]} : vector<1024x512xf32> to vector<1024x128xf32>
    %slice3A_546 = vector.extract_strided_slice %add3A_543 {offsets = [0, 256], sizes = [1024, 128], strides = [1, 1]} : vector<1024x512xf32> to vector<1024x128xf32>
    %slice3A_547 = vector.extract_strided_slice %add3A_543 {offsets = [0, 384], sizes = [1024, 128], strides = [1, 1]} : vector<1024x512xf32> to vector<1024x128xf32>
    %logistic3A_548 = arith.negf %slice3A_545 : vector<1024x128xf32>
    %logistic3A_549 = math.exp %logistic3A_548 : vector<1024x128xf32>
    %logistic3A_550 = arith.constant 1.000000e+00 : f32
    %logistic3A_551 = vector.broadcast %logistic3A_550 : f32 to vector<1024x128xf32>
    %logistic3A_552 = arith.addf %logistic3A_551, %logistic3A_549 : vector<1024x128xf32>
    %logistic3A_553 = arith.divf %logistic3A_551, %logistic3A_552 : vector<1024x128xf32>
    %mul3A_554 = arith.mulf %logistic3A_553, %add3A_450 : vector<1024x128xf32>
    %logistic3A_555 = arith.negf %slice3A_544 : vector<1024x128xf32>
    %logistic3A_556 = math.exp %logistic3A_555 : vector<1024x128xf32>
    %logistic3A_557 = arith.constant 1.000000e+00 : f32
    %logistic3A_558 = vector.broadcast %logistic3A_557 : f32 to vector<1024x128xf32>
    %logistic3A_559 = arith.addf %logistic3A_558, %logistic3A_556 : vector<1024x128xf32>
    %logistic3A_560 = arith.divf %logistic3A_558, %logistic3A_559 : vector<1024x128xf32>
    %tanh3A_561 = math.tanh %slice3A_546 : vector<1024x128xf32>
    %mul3A_562 = arith.mulf %logistic3A_560, %tanh3A_561 : vector<1024x128xf32>
    %add3A_563 = arith.addf %mul3A_554, %mul3A_562 : vector<1024x128xf32>
    %logistic3A_564 = arith.negf %slice3A_547 : vector<1024x128xf32>
    %logistic3A_565 = math.exp %logistic3A_564 : vector<1024x128xf32>
    %logistic3A_566 = arith.constant 1.000000e+00 : f32
    %logistic3A_567 = vector.broadcast %logistic3A_566 : f32 to vector<1024x128xf32>
    %logistic3A_568 = arith.addf %logistic3A_567, %logistic3A_565 : vector<1024x128xf32>
    %logistic3A_569 = arith.divf %logistic3A_567, %logistic3A_568 : vector<1024x128xf32>
    %tanh3A_570 = math.tanh %add3A_563 : vector<1024x128xf32>
    %mul3A_571 = arith.mulf %logistic3A_569, %tanh3A_570 : vector<1024x128xf32>
    %swap3A = arith.constant 0 : index
    %swap3A_572 = arith.constant 0 : index
    %swap3A_573 = vector.load %arg15[%swap3A, %swap3A_572] : memref<1024x128xf32, #tpu.memory_space<vmem>>, vector<1024x128xf32>
    tpu.vector_store %arg15[%swap3A, %swap3A_572], %mul3A_522 {strides = array<i32>} : memref<1024x128xf32, #tpu.memory_space<vmem>>, vector<1024x128xf32>,
    %swap3A_574 = arith.constant 0 : index
    %swap3A_575 = arith.constant 0 : index
    %swap3A_576 = vector.load %arg16[%swap3A_574, %swap3A_575] : memref<1024x128xf32, #tpu.memory_space<vmem>>, vector<1024x128xf32>
    tpu.vector_store %arg16[%swap3A_574, %swap3A_575], %add3A_514 {strides = array<i32>} : memref<1024x128xf32, #tpu.memory_space<vmem>>, vector<1024x128xf32>,
    %swap3A_577 = arith.constant 0 : index
    %swap3A_578 = arith.constant 0 : index
    %swap3A_579 = vector.load %arg17[%swap3A_577, %swap3A_578] : memref<1024x128xf32, #tpu.memory_space<vmem>>, vector<1024x128xf32>
    tpu.vector_store %arg17[%swap3A_577, %swap3A_578], %mul3A_571 {strides = array<i32>} : memref<1024x128xf32, #tpu.memory_space<vmem>>, vector<1024x128xf32>,
    %swap3A_580 = arith.constant 0 : index
    %swap3A_581 = arith.constant 0 : index
    %swap3A_582 = vector.load %arg18[%swap3A_580, %swap3A_581] : memref<1024x128xf32, #tpu.memory_space<vmem>>, vector<1024x128xf32>
    tpu.vector_store %arg18[%swap3A_580, %swap3A_581], %add3A_563 {strides = array<i32>} : memref<1024x128xf32, #tpu.memory_space<vmem>>, vector<1024x128xf32>,
    %eq3A_583 = arith.constant 9 : i32
    %eq3A_584 = arith.cmpi eq, %arg0, %eq3A_583 : i32
    %convert_element_type3A_585 = arith.extui %eq3A_584 : i1 to i32
    %cond3A_586 = arith.constant 0 : i32
    %cond3A_587 = arith.cmpi ne, %convert_element_type3A_585, %cond3A_586 : i32
    scf.if %cond3A_587 {
      %reduce_sum3A = arith.constant dense<0.000000e+00> : vector<1024xf32>
      %reduce_sum3A_588 = vector.multi_reduction <add>, %mul3A_571, %reduce_sum3A [1] : vector<1024x128xf32> to vector<1024xf32>
      %broadcast_in_dim3A = vector.shape_cast %reduce_sum3A_588 : vector<1024xf32> to vector<1024x1xf32>
      %div3A = arith.constant 1.280000e+02 : f32
      %div3A_589 = vector.broadcast %div3A : f32 to vector<1024x1xf32>
      %div3A_590 = arith.divf %broadcast_in_dim3A, %div3A_589 : vector<1024x1xf32>
      %sub3A = vector.broadcast %div3A_590 : vector<1024x1xf32> to vector<1024x128xf32>
      %sub3A_591 = arith.subf %mul3A_571, %sub3A : vector<1024x128xf32>
      %integer_pow3A = arith.mulf %sub3A_591, %sub3A_591 : vector<1024x128xf32>
      %reduce_sum3A_592 = arith.constant dense<0.000000e+00> : vector<1024xf32>
      %reduce_sum3A_593 = vector.multi_reduction <add>, %integer_pow3A, %reduce_sum3A_592 [1] : vector<1024x128xf32> to vector<1024xf32>
      %broadcast_in_dim3A_594 = vector.shape_cast %reduce_sum3A_593 : vector<1024xf32> to vector<1024x1xf32>
      %div3A_595 = arith.constant 1.280000e+02 : f32
      %div3A_596 = vector.broadcast %div3A_595 : f32 to vector<1024x1xf32>
      %div3A_597 = arith.divf %broadcast_in_dim3A_594, %div3A_596 : vector<1024x1xf32>
      %sub3A_598 = vector.broadcast %div3A_590 : vector<1024x1xf32> to vector<1024x128xf32>
      %sub3A_599 = arith.subf %mul3A_571, %sub3A_598 : vector<1024x128xf32>
      %add3A_600 = arith.constant 9.99999974E-6 : f32
      %add3A_601 = vector.broadcast %add3A_600 : f32 to vector<1024x1xf32>
      %add3A_602 = arith.addf %div3A_597, %add3A_601 : vector<1024x1xf32>
      %sqrt3A = math.sqrt %add3A_602 : vector<1024x1xf32>
      %div3A_603 = vector.broadcast %sqrt3A : vector<1024x1xf32> to vector<1024x128xf32>
      %div3A_604 = arith.divf %sub3A_599, %div3A_603 : vector<1024x128xf32>
      %get3A_605 = arith.constant 0 : index
      %get3A_606 = arith.constant 0 : index
      %get3A_607 = vector.load %arg12[%get3A_605, %get3A_606] : memref<1x128xf32, #tpu.memory_space<vmem>>, vector<1x128xf32>
      %mul3A_608 = vector.broadcast %get3A_607 : vector<1x128xf32> to vector<1024x128xf32>
      %mul3A_609 = arith.mulf %div3A_604, %mul3A_608 : vector<1024x128xf32>
      %get3A_610 = arith.constant 0 : index
      %get3A_611 = arith.constant 0 : index
      %get3A_612 = vector.load %arg13[%get3A_610, %get3A_611] : memref<1x128xf32, #tpu.memory_space<vmem>>, vector<1x128xf32>
      %add3A_613 = vector.broadcast %get3A_612 : vector<1x128xf32> to vector<1024x128xf32>
      %add3A_614 = arith.addf %mul3A_609, %add3A_613 : vector<1024x128xf32>
      %swap3A_615 = arith.constant 0 : index
      %swap3A_616 = arith.constant 0 : index
      %swap3A_617 = vector.load %arg14[%swap3A_615, %swap3A_616] : memref<1024x128xf32, #tpu.memory_space<vmem>>, vector<1024x128xf32>
      tpu.vector_store %arg14[%swap3A_615, %swap3A_616], %add3A_614 {strides = array<i32>} : memref<1024x128xf32, #tpu.memory_space<vmem>>, vector<1024x128xf32>,
    } else {
    }
    return
  }
  func.func @transform_0(%arg0: i32) -> (i32, i32, i32) {
    %c0_i32 = arith.constant 0 : i32
    %c0_i32_0 = arith.constant 0 : i32
    %c0_i32_1 = arith.constant 0 : i32
    return %arg0, %c0_i32, %c0_i32_0 : i32, i32, i32
  }
  func.func @transform_1(%arg0: i32) -> (i32, i32) {
    %c0_i32 = arith.constant 0 : i32
    %c0_i32_0 = arith.constant 0 : i32
    %c0_i32_1 = arith.constant 0 : i32
    return %c0_i32, %c0_i32_0 : i32, i32
  }
  func.func @transform_2(%arg0: i32) -> (i32, i32) {
    %c0_i32 = arith.constant 0 : i32
    %c0_i32_0 = arith.constant 0 : i32
    %c0_i32_1 = arith.constant 0 : i32
    return %c0_i32, %c0_i32_0 : i32, i32
  }
  func.func @transform_3(%arg0: i32) -> (i32, i32) {
    %c0_i32 = arith.constant 0 : i32
    %c0_i32_0 = arith.constant 0 : i32
    %c0_i32_1 = arith.constant 0 : i32
    return %c0_i32, %c0_i32_0 : i32, i32
  }
  func.func @transform_4(%arg0: i32) -> (i32, i32) {
    %c0_i32 = arith.constant 0 : i32
    %c0_i32_0 = arith.constant 0 : i32
    %c0_i32_1 = arith.constant 0 : i32
    return %c0_i32, %c0_i32_0 : i32, i32
  }
  func.func @transform_5(%arg0: i32) -> (i32, i32) {
    %c0_i32 = arith.constant 0 : i32
    %c0_i32_0 = arith.constant 0 : i32
    %c0_i32_1 = arith.constant 0 : i32
    return %c0_i32, %c0_i32_0 : i32, i32
  }
  func.func @transform_6(%arg0: i32) -> (i32, i32) {
    %c0_i32 = arith.constant 0 : i32
    %c0_i32_0 = arith.constant 0 : i32
    %c0_i32_1 = arith.constant 0 : i32
    return %c0_i32, %c0_i32_0 : i32, i32
  }
  func.func @transform_7(%arg0: i32) -> (i32, i32) {
    %c0_i32 = arith.constant 0 : i32
    %c0_i32_0 = arith.constant 0 : i32
    %c0_i32_1 = arith.constant 0 : i32
    return %c0_i32, %c0_i32_0 : i32, i32
  }
  func.func @transform_8(%arg0: i32) -> (i32, i32) {
    %c0_i32 = arith.constant 0 : i32
    %c0_i32_0 = arith.constant 0 : i32
    %c0_i32_1 = arith.constant 0 : i32
    return %c0_i32, %c0_i32_0 : i32, i32
  }
  func.func @transform_9(%arg0: i32) -> (i32, i32) {
    %c0_i32 = arith.constant 0 : i32
    %c0_i32_0 = arith.constant 0 : i32
    %c0_i32_1 = arith.constant 0 : i32
    return %c0_i32, %c0_i32_0 : i32, i32
  }
  func.func @transform_10(%arg0: i32) -> (i32, i32) {
    %c0_i32 = arith.constant 0 : i32
    %c0_i32_0 = arith.constant 0 : i32
    %c0_i32_1 = arith.constant 0 : i32
    return %c0_i32, %c0_i32_0 : i32, i32
  }
  func.func @transform_11(%arg0: i32) -> (i32, i32) {
    %c0_i32 = arith.constant 0 : i32
    %c0_i32_0 = arith.constant 0 : i32
    %c0_i32_1 = arith.constant 0 : i32
    return %c0_i32, %c0_i32_0 : i32, i32
  }
  func.func @transform_12(%arg0: i32) -> (i32, i32) {
    %c0_i32 = arith.constant 0 : i32
    %c0_i32_0 = arith.constant 0 : i32
    %c0_i32_1 = arith.constant 0 : i32
    return %c0_i32, %c0_i32_0 : i32, i32
  }
  func.func @transform_13(%arg0: i32) -> (i32, i32) {
    %c0_i32 = arith.constant 0 : i32
    %c0_i32_0 = arith.constant 0 : i32
    %c0_i32_1 = arith.constant 0 : i32
    return %c0_i32, %c0_i32_0 : i32, i32
  }
}

module attributes {stable_mosaic.version = 14 : i64} {
  func.func @_scatter_kernel(%arg0: i32, %arg1: memref<1024x128xf32, #tpu.memory_space<vmem>>, %arg2: memref<1x1024xi32, #tpu.memory_space<vmem>>, %arg3: memref<128x128xf32, #tpu.memory_space<vmem>>, %arg4: memref<1x128xf32, #tpu.memory_space<vmem>>, %arg5: memref<512x128xf32, #tpu.memory_space<vmem>>, %arg6: memref<512x128xf32, #tpu.memory_space<vmem>>) attributes {dimension_semantics = [#tpu.dimension_semantics<arbitrary>], iteration_bounds = array<i64: 8>, scalar_prefetch = 0 : i64, scratch_operands = 0 : i64, tpu.core_type = #tpu.core_type<tc>, window_params = [{pipeline_mode = #tpu.pipeline_mode<synchronous>, transform_indices = @transform_0, window_bounds = array<i64: 1024, 128>}, {pipeline_mode = #tpu.pipeline_mode<synchronous>, transform_indices = @transform_1, window_bounds = array<i64: 1, 1024>}, {pipeline_mode = #tpu.pipeline_mode<synchronous>, transform_indices = @transform_2, window_bounds = array<i64: 128, 128>}, {pipeline_mode = #tpu.pipeline_mode<synchronous>, transform_indices = @transform_3, window_bounds = array<i64: 1, 128>}, {transform_indices = @transform_4, window_bounds = array<i64: 512, 128>}, {transform_indices = @transform_5, window_bounds = array<i64: 512, 128>}]} {
    %mul3A = arith.constant 512 : i32
    %mul3A_0 = arith.muli %arg0, %mul3A : i32
    %get3A = arith.constant 0 : index
    %get3A_1 = arith.constant 0 : index
    %get3A_2 = vector.load %arg2[%get3A, %get3A_1] : memref<1x1024xi32, #tpu.memory_space<vmem>>, vector<1x1024xi32>
    %broadcast_in_dim3A = vector.shape_cast %get3A_2 : vector<1x1024xi32> to vector<1x1024xi32>
    %broadcast_in_dim3A_3 = vector.broadcast %broadcast_in_dim3A : vector<1x1024xi32> to vector<512x1024xi32>
    %iota3A = tpu.iota {dimensions = array<i32: 0>} : vector<512x1024xi32>
    %add3A = vector.broadcast %mul3A_0 : i32 to vector<512x1024xi32>
    %add3A_4 = arith.addi %add3A, %iota3A : vector<512x1024xi32>
    %eq3A = arith.cmpi eq, %broadcast_in_dim3A_3, %add3A_4 : vector<512x1024xi32>
    %iota3A_5 = tpu.iota {dimensions = array<i32: 1>} : vector<512x1024xi32>
    %jit3A = arith.constant -1 : i32
    %broadcast_in_dim3A_6 = vector.broadcast %jit3A : i32 to vector<512x1024xi32>
    %select_n3A = arith.select %eq3A, %iota3A_5, %broadcast_in_dim3A_6 : vector<512x1024xi1>, vector<512x1024xi32>
    %reduce_max3A = arith.constant dense<-2147483648> : vector<512xi32>
    %reduce_max3A_7 = vector.multi_reduction <maxsi>, %select_n3A, %reduce_max3A [1] : vector<512x1024xi32> to vector<512xi32>
    %broadcast_in_dim3A_8 = vector.shape_cast %reduce_max3A_7 : vector<512xi32> to vector<512x1xi32>
    %eq3A_9 = vector.broadcast %broadcast_in_dim3A_8 : vector<512x1xi32> to vector<512x1024xi32>
    %eq3A_10 = arith.cmpi eq, %iota3A_5, %eq3A_9 : vector<512x1024xi32>
    %and3A = arith.andi %eq3A, %eq3A_10 : vector<512x1024xi1>
    %convert_element_type3A = arith.extui %and3A : vector<512x1024xi1> to vector<512x1024xi32>
    %convert_element_type3A_11 = arith.sitofp %convert_element_type3A : vector<512x1024xi32> to vector<512x1024xf32>
    %get3A_12 = arith.constant 0 : index
    %get3A_13 = arith.constant 0 : index
    %get3A_14 = vector.load %arg1[%get3A_12, %get3A_13] : memref<1024x128xf32, #tpu.memory_space<vmem>>, vector<1024x128xf32>
    %dot_general3A = arith.constant dense<0.000000e+00> : vector<512x128xf32>
    %dot_general3A_15 = tpu.matmul %convert_element_type3A_11, %get3A_14, %dot_general3A {dimension_numbers = #tpu.dot_dimension_numbers<[1], [0], [0], [1], [0, 0, 1, 1], [], []>, precision = #tpu.contract_precision<fp32>, transpose_lhs_hint = false} : vector<512x1024xf32>, vector<1024x128xf32>, vector<512x128xf32> -> vector<512x128xf32>
    %swap3A = arith.constant 0 : index
    %swap3A_16 = arith.constant 0 : index
    %swap3A_17 = vector.load %arg5[%swap3A, %swap3A_16] : memref<512x128xf32, #tpu.memory_space<vmem>>, vector<512x128xf32>
    tpu.vector_store %arg5[%swap3A, %swap3A_16], %dot_general3A_15 {strides = array<i32>} : memref<512x128xf32, #tpu.memory_space<vmem>>, vector<512x128xf32>,
    %get3A_18 = arith.constant 0 : index
    %get3A_19 = arith.constant 0 : index
    %get3A_20 = vector.load %arg3[%get3A_18, %get3A_19] : memref<128x128xf32, #tpu.memory_space<vmem>>, vector<128x128xf32>
    %dot_general3A_21 = arith.constant dense<0.000000e+00> : vector<512x128xf32>
    %dot_general3A_22 = tpu.matmul %dot_general3A_15, %get3A_20, %dot_general3A_21 {dimension_numbers = #tpu.dot_dimension_numbers<[1], [0], [0], [1], [0, 0, 1, 1], [], []>, transpose_lhs_hint = false} : vector<512x128xf32>, vector<128x128xf32>, vector<512x128xf32> -> vector<512x128xf32>
    %get3A_23 = arith.constant 0 : index
    %get3A_24 = arith.constant 0 : index
    %get3A_25 = vector.load %arg4[%get3A_23, %get3A_24] : memref<1x128xf32, #tpu.memory_space<vmem>>, vector<1x128xf32>
    %add3A_26 = vector.broadcast %get3A_25 : vector<1x128xf32> to vector<512x128xf32>
    %add3A_27 = arith.addf %dot_general3A_22, %add3A_26 : vector<512x128xf32>
    %swap3A_28 = arith.constant 0 : index
    %swap3A_29 = arith.constant 0 : index
    %swap3A_30 = vector.load %arg6[%swap3A_28, %swap3A_29] : memref<512x128xf32, #tpu.memory_space<vmem>>, vector<512x128xf32>
    tpu.vector_store %arg6[%swap3A_28, %swap3A_29], %add3A_27 {strides = array<i32>} : memref<512x128xf32, #tpu.memory_space<vmem>>, vector<512x128xf32>,
    return
  }
  func.func @transform_0(%arg0: i32) -> (i32, i32) {
    %c0_i32 = arith.constant 0 : i32
    %c0_i32_0 = arith.constant 0 : i32
    %c0_i32_1 = arith.constant 0 : i32
    return %c0_i32, %c0_i32_0 : i32, i32
  }
  func.func @transform_1(%arg0: i32) -> (i32, i32) {
    %c0_i32 = arith.constant 0 : i32
    %c0_i32_0 = arith.constant 0 : i32
    %c0_i32_1 = arith.constant 0 : i32
    return %c0_i32, %c0_i32_0 : i32, i32
  }
  func.func @transform_2(%arg0: i32) -> (i32, i32) {
    %c0_i32 = arith.constant 0 : i32
    %c0_i32_0 = arith.constant 0 : i32
    %c0_i32_1 = arith.constant 0 : i32
    return %c0_i32, %c0_i32_0 : i32, i32
  }
  func.func @transform_3(%arg0: i32) -> (i32, i32) {
    %c0_i32 = arith.constant 0 : i32
    %c0_i32_0 = arith.constant 0 : i32
    %c0_i32_1 = arith.constant 0 : i32
    return %c0_i32, %c0_i32_0 : i32, i32
  }
  func.func @transform_4(%arg0: i32) -> (i32, i32) {
    %c0_i32 = arith.constant 0 : i32
    %c0_i32_0 = arith.constant 0 : i32
    return %arg0, %c0_i32 : i32, i32
  }
  func.func @transform_5(%arg0: i32) -> (i32, i32) {
    %c0_i32 = arith.constant 0 : i32
    %c0_i32_0 = arith.constant 0 : i32
    return %arg0, %c0_i32 : i32, i32
  }
}

module attributes {stable_mosaic.version = 14 : i64} {
  func.func @_gnn1_kernel(%arg0: i32, %arg1: memref<512x4096xf32, #tpu.memory_space<vmem>>, %arg2: memref<4096x128xf32, #tpu.memory_space<vmem>>, %arg3: memref<512x128xf32, #tpu.memory_space<vmem>>, %arg4: memref<1x128xf32, #tpu.memory_space<vmem>>, %arg5: memref<1x128xf32, #tpu.memory_space<vmem>>, %arg6: memref<128x128xf32, #tpu.memory_space<vmem>>, %arg7: memref<1x128xf32, #tpu.memory_space<vmem>>, %arg8: memref<512x128xf32, #tpu.memory_space<vmem>>, %arg9: memref<512x128xf32, #tpu.memory_space<vmem>>) attributes {dimension_semantics = [#tpu.dimension_semantics<arbitrary>], iteration_bounds = array<i64: 8>, scalar_prefetch = 0 : i64, scratch_operands = 0 : i64, tpu.core_type = #tpu.core_type<tc>, window_params = [{transform_indices = @transform_0, window_bounds = array<i64: 512, 4096>}, {pipeline_mode = #tpu.pipeline_mode<synchronous>, transform_indices = @transform_1, window_bounds = array<i64: 4096, 128>}, {transform_indices = @transform_2, window_bounds = array<i64: 512, 128>}, {pipeline_mode = #tpu.pipeline_mode<synchronous>, transform_indices = @transform_3, window_bounds = array<i64: 1, 128>}, {pipeline_mode = #tpu.pipeline_mode<synchronous>, transform_indices = @transform_4, window_bounds = array<i64: 1, 128>}, {pipeline_mode = #tpu.pipeline_mode<synchronous>, transform_indices = @transform_5, window_bounds = array<i64: 128, 128>}, {pipeline_mode = #tpu.pipeline_mode<synchronous>, transform_indices = @transform_6, window_bounds = array<i64: 1, 128>}, {transform_indices = @transform_7, window_bounds = array<i64: 512, 128>}, {transform_indices = @transform_8, window_bounds = array<i64: 512, 128>}]} {
    %get3A = arith.constant 0 : index
    %get3A_0 = arith.constant 0 : index
    %get3A_1 = vector.load %arg1[%get3A, %get3A_0] : memref<512x4096xf32, #tpu.memory_space<vmem>>, vector<512x4096xf32>
    %get3A_2 = arith.constant 0 : index
    %get3A_3 = arith.constant 0 : index
    %get3A_4 = vector.load %arg2[%get3A_2, %get3A_3] : memref<4096x128xf32, #tpu.memory_space<vmem>>, vector<4096x128xf32>
    %dot_general3A = arith.constant dense<0.000000e+00> : vector<512x128xf32>
    %dot_general3A_5 = tpu.matmul %get3A_1, %get3A_4, %dot_general3A {dimension_numbers = #tpu.dot_dimension_numbers<[1], [0], [0], [1], [0, 0, 1, 1], [], []>, transpose_lhs_hint = false} : vector<512x4096xf32>, vector<4096x128xf32>, vector<512x128xf32> -> vector<512x128xf32>
    %get3A_6 = arith.constant 0 : index
    %get3A_7 = arith.constant 0 : index
    %get3A_8 = vector.load %arg3[%get3A_6, %get3A_7] : memref<512x128xf32, #tpu.memory_space<vmem>>, vector<512x128xf32>
    %div3A = arith.constant 1.41421354 : f32
    %div3A_9 = vector.broadcast %div3A : f32 to vector<512x128xf32>
    %div3A_10 = arith.divf %dot_general3A_5, %div3A_9 : vector<512x128xf32>
    %erf3A = math.erf %div3A_10 : vector<512x128xf32>
    %add3A = arith.constant 1.000000e+00 : f32
    %add3A_11 = vector.broadcast %add3A : f32 to vector<512x128xf32>
    %add3A_12 = arith.addf %erf3A, %add3A_11 : vector<512x128xf32>
    %mul3A = arith.mulf %dot_general3A_5, %add3A_12 : vector<512x128xf32>
    %div3A_13 = arith.constant 2.000000e+00 : f32
    %div3A_14 = vector.broadcast %div3A_13 : f32 to vector<512x128xf32>
    %div3A_15 = arith.divf %mul3A, %div3A_14 : vector<512x128xf32>
    %add3A_16 = arith.addf %get3A_8, %div3A_15 : vector<512x128xf32>
    %reduce_sum3A = arith.constant dense<0.000000e+00> : vector<512xf32>
    %reduce_sum3A_17 = vector.multi_reduction <add>, %add3A_16, %reduce_sum3A [1] : vector<512x128xf32> to vector<512xf32>
    %broadcast_in_dim3A = vector.shape_cast %reduce_sum3A_17 : vector<512xf32> to vector<512x1xf32>
    %div3A_18 = arith.constant 1.280000e+02 : f32
    %div3A_19 = vector.broadcast %div3A_18 : f32 to vector<512x1xf32>
    %div3A_20 = arith.divf %broadcast_in_dim3A, %div3A_19 : vector<512x1xf32>
    %sub3A = vector.broadcast %div3A_20 : vector<512x1xf32> to vector<512x128xf32>
    %sub3A_21 = arith.subf %add3A_16, %sub3A : vector<512x128xf32>
    %integer_pow3A = arith.mulf %sub3A_21, %sub3A_21 : vector<512x128xf32>
    %reduce_sum3A_22 = arith.constant dense<0.000000e+00> : vector<512xf32>
    %reduce_sum3A_23 = vector.multi_reduction <add>, %integer_pow3A, %reduce_sum3A_22 [1] : vector<512x128xf32> to vector<512xf32>
    %broadcast_in_dim3A_24 = vector.shape_cast %reduce_sum3A_23 : vector<512xf32> to vector<512x1xf32>
    %div3A_25 = arith.constant 1.280000e+02 : f32
    %div3A_26 = vector.broadcast %div3A_25 : f32 to vector<512x1xf32>
    %div3A_27 = arith.divf %broadcast_in_dim3A_24, %div3A_26 : vector<512x1xf32>
    %sub3A_28 = vector.broadcast %div3A_20 : vector<512x1xf32> to vector<512x128xf32>
    %sub3A_29 = arith.subf %add3A_16, %sub3A_28 : vector<512x128xf32>
    %add3A_30 = arith.constant 9.99999974E-6 : f32
    %add3A_31 = vector.broadcast %add3A_30 : f32 to vector<512x1xf32>
    %add3A_32 = arith.addf %div3A_27, %add3A_31 : vector<512x1xf32>
    %sqrt3A = math.sqrt %add3A_32 : vector<512x1xf32>
    %div3A_33 = vector.broadcast %sqrt3A : vector<512x1xf32> to vector<512x128xf32>
    %div3A_34 = arith.divf %sub3A_29, %div3A_33 : vector<512x128xf32>
    %get3A_35 = arith.constant 0 : index
    %get3A_36 = arith.constant 0 : index
    %get3A_37 = vector.load %arg4[%get3A_35, %get3A_36] : memref<1x128xf32, #tpu.memory_space<vmem>>, vector<1x128xf32>
    %mul3A_38 = vector.broadcast %get3A_37 : vector<1x128xf32> to vector<512x128xf32>
    %mul3A_39 = arith.mulf %div3A_34, %mul3A_38 : vector<512x128xf32>
    %get3A_40 = arith.constant 0 : index
    %get3A_41 = arith.constant 0 : index
    %get3A_42 = vector.load %arg5[%get3A_40, %get3A_41] : memref<1x128xf32, #tpu.memory_space<vmem>>, vector<1x128xf32>
    %add3A_43 = vector.broadcast %get3A_42 : vector<1x128xf32> to vector<512x128xf32>
    %add3A_44 = arith.addf %mul3A_39, %add3A_43 : vector<512x128xf32>
    %swap3A = arith.constant 0 : index
    %swap3A_45 = arith.constant 0 : index
    %swap3A_46 = vector.load %arg8[%swap3A, %swap3A_45] : memref<512x128xf32, #tpu.memory_space<vmem>>, vector<512x128xf32>
    tpu.vector_store %arg8[%swap3A, %swap3A_45], %add3A_44 {strides = array<i32>} : memref<512x128xf32, #tpu.memory_space<vmem>>, vector<512x128xf32>,
    %get3A_47 = arith.constant 0 : index
    %get3A_48 = arith.constant 0 : index
    %get3A_49 = vector.load %arg6[%get3A_47, %get3A_48] : memref<128x128xf32, #tpu.memory_space<vmem>>, vector<128x128xf32>
    %dot_general3A_50 = arith.constant dense<0.000000e+00> : vector<512x128xf32>
    %dot_general3A_51 = tpu.matmul %add3A_44, %get3A_49, %dot_general3A_50 {dimension_numbers = #tpu.dot_dimension_numbers<[1], [0], [0], [1], [0, 0, 1, 1], [], []>, transpose_lhs_hint = false} : vector<512x128xf32>, vector<128x128xf32>, vector<512x128xf32> -> vector<512x128xf32>
    %get3A_52 = arith.constant 0 : index
    %get3A_53 = arith.constant 0 : index
    %get3A_54 = vector.load %arg7[%get3A_52, %get3A_53] : memref<1x128xf32, #tpu.memory_space<vmem>>, vector<1x128xf32>
    %add3A_55 = vector.broadcast %get3A_54 : vector<1x128xf32> to vector<512x128xf32>
    %add3A_56 = arith.addf %dot_general3A_51, %add3A_55 : vector<512x128xf32>
    %swap3A_57 = arith.constant 0 : index
    %swap3A_58 = arith.constant 0 : index
    %swap3A_59 = vector.load %arg9[%swap3A_57, %swap3A_58] : memref<512x128xf32, #tpu.memory_space<vmem>>, vector<512x128xf32>
    tpu.vector_store %arg9[%swap3A_57, %swap3A_58], %add3A_56 {strides = array<i32>} : memref<512x128xf32, #tpu.memory_space<vmem>>, vector<512x128xf32>,
    return
  }
  func.func @transform_0(%arg0: i32) -> (i32, i32) {
    %c0_i32 = arith.constant 0 : i32
    %c0_i32_0 = arith.constant 0 : i32
    return %arg0, %c0_i32 : i32, i32
  }
  func.func @transform_1(%arg0: i32) -> (i32, i32) {
    %c0_i32 = arith.constant 0 : i32
    %c0_i32_0 = arith.constant 0 : i32
    %c0_i32_1 = arith.constant 0 : i32
    return %c0_i32, %c0_i32_0 : i32, i32
  }
  func.func @transform_2(%arg0: i32) -> (i32, i32) {
    %c0_i32 = arith.constant 0 : i32
    %c0_i32_0 = arith.constant 0 : i32
    return %arg0, %c0_i32 : i32, i32
  }
  func.func @transform_3(%arg0: i32) -> (i32, i32) {
    %c0_i32 = arith.constant 0 : i32
    %c0_i32_0 = arith.constant 0 : i32
    %c0_i32_1 = arith.constant 0 : i32
    return %c0_i32, %c0_i32_0 : i32, i32
  }
  func.func @transform_4(%arg0: i32) -> (i32, i32) {
    %c0_i32 = arith.constant 0 : i32
    %c0_i32_0 = arith.constant 0 : i32
    %c0_i32_1 = arith.constant 0 : i32
    return %c0_i32, %c0_i32_0 : i32, i32
  }
  func.func @transform_5(%arg0: i32) -> (i32, i32) {
    %c0_i32 = arith.constant 0 : i32
    %c0_i32_0 = arith.constant 0 : i32
    %c0_i32_1 = arith.constant 0 : i32
    return %c0_i32, %c0_i32_0 : i32, i32
  }
  func.func @transform_6(%arg0: i32) -> (i32, i32) {
    %c0_i32 = arith.constant 0 : i32
    %c0_i32_0 = arith.constant 0 : i32
    %c0_i32_1 = arith.constant 0 : i32
    return %c0_i32, %c0_i32_0 : i32, i32
  }
  func.func @transform_7(%arg0: i32) -> (i32, i32) {
    %c0_i32 = arith.constant 0 : i32
    %c0_i32_0 = arith.constant 0 : i32
    return %arg0, %c0_i32 : i32, i32
  }
  func.func @transform_8(%arg0: i32) -> (i32, i32) {
    %c0_i32 = arith.constant 0 : i32
    %c0_i32_0 = arith.constant 0 : i32
    return %arg0, %c0_i32 : i32, i32
  }
}

module attributes {stable_mosaic.version = 14 : i64} {
  func.func @_head_kernel(%arg0: i32, %arg1: memref<256x4096xf32, #tpu.memory_space<vmem>>, %arg2: memref<4096x128xf32, #tpu.memory_space<vmem>>, %arg3: memref<256x128xf32, #tpu.memory_space<vmem>>, %arg4: memref<1x128xf32, #tpu.memory_space<vmem>>, %arg5: memref<1x128xf32, #tpu.memory_space<vmem>>, %arg6: memref<128x64xf32, #tpu.memory_space<vmem>>, %arg7: memref<1x64xf32, #tpu.memory_space<vmem>>, %arg8: memref<64x1xf32, #tpu.memory_space<vmem>>, %arg9: memref<1x1xf32, #tpu.memory_space<vmem>>, %arg10: memref<256x1xf32, #tpu.memory_space<vmem>>) attributes {dimension_semantics = [#tpu.dimension_semantics<arbitrary>], iteration_bounds = array<i64: 4>, scalar_prefetch = 0 : i64, scratch_operands = 0 : i64, tpu.core_type = #tpu.core_type<tc>, window_params = [{transform_indices = @transform_0, window_bounds = array<i64: 256, 4096>}, {pipeline_mode = #tpu.pipeline_mode<synchronous>, transform_indices = @transform_1, window_bounds = array<i64: 4096, 128>}, {transform_indices = @transform_2, window_bounds = array<i64: 256, 128>}, {pipeline_mode = #tpu.pipeline_mode<synchronous>, transform_indices = @transform_3, window_bounds = array<i64: 1, 128>}, {pipeline_mode = #tpu.pipeline_mode<synchronous>, transform_indices = @transform_4, window_bounds = array<i64: 1, 128>}, {pipeline_mode = #tpu.pipeline_mode<synchronous>, transform_indices = @transform_5, window_bounds = array<i64: 128, 64>}, {pipeline_mode = #tpu.pipeline_mode<synchronous>, transform_indices = @transform_6, window_bounds = array<i64: 1, 64>}, {pipeline_mode = #tpu.pipeline_mode<synchronous>, transform_indices = @transform_7, window_bounds = array<i64: 64, 1>}, {pipeline_mode = #tpu.pipeline_mode<synchronous>, transform_indices = @transform_8, window_bounds = array<i64: 1, 1>}, {transform_indices = @transform_9, window_bounds = array<i64: 256, 1>}]} {
    %get3A = arith.constant 0 : index
    %get3A_0 = arith.constant 0 : index
    %get3A_1 = vector.load %arg1[%get3A, %get3A_0] : memref<256x4096xf32, #tpu.memory_space<vmem>>, vector<256x4096xf32>
    %get3A_2 = arith.constant 0 : index
    %get3A_3 = arith.constant 0 : index
    %get3A_4 = vector.load %arg2[%get3A_2, %get3A_3] : memref<4096x128xf32, #tpu.memory_space<vmem>>, vector<4096x128xf32>
    %dot_general3A = arith.constant dense<0.000000e+00> : vector<256x128xf32>
    %dot_general3A_5 = tpu.matmul %get3A_1, %get3A_4, %dot_general3A {dimension_numbers = #tpu.dot_dimension_numbers<[1], [0], [0], [1], [0, 0, 1, 1], [], []>, transpose_lhs_hint = false} : vector<256x4096xf32>, vector<4096x128xf32>, vector<256x128xf32> -> vector<256x128xf32>
    %get3A_6 = arith.constant 0 : index
    %get3A_7 = arith.constant 0 : index
    %get3A_8 = vector.load %arg3[%get3A_6, %get3A_7] : memref<256x128xf32, #tpu.memory_space<vmem>>, vector<256x128xf32>
    %div3A = arith.constant 1.41421354 : f32
    %div3A_9 = vector.broadcast %div3A : f32 to vector<256x128xf32>
    %div3A_10 = arith.divf %dot_general3A_5, %div3A_9 : vector<256x128xf32>
    %erf3A = math.erf %div3A_10 : vector<256x128xf32>
    %add3A = arith.constant 1.000000e+00 : f32
    %add3A_11 = vector.broadcast %add3A : f32 to vector<256x128xf32>
    %add3A_12 = arith.addf %erf3A, %add3A_11 : vector<256x128xf32>
    %mul3A = arith.mulf %dot_general3A_5, %add3A_12 : vector<256x128xf32>
    %div3A_13 = arith.constant 2.000000e+00 : f32
    %div3A_14 = vector.broadcast %div3A_13 : f32 to vector<256x128xf32>
    %div3A_15 = arith.divf %mul3A, %div3A_14 : vector<256x128xf32>
    %add3A_16 = arith.addf %get3A_8, %div3A_15 : vector<256x128xf32>
    %reduce_sum3A = arith.constant dense<0.000000e+00> : vector<256xf32>
    %reduce_sum3A_17 = vector.multi_reduction <add>, %add3A_16, %reduce_sum3A [1] : vector<256x128xf32> to vector<256xf32>
    %broadcast_in_dim3A = vector.shape_cast %reduce_sum3A_17 : vector<256xf32> to vector<256x1xf32>
    %div3A_18 = arith.constant 1.280000e+02 : f32
    %div3A_19 = vector.broadcast %div3A_18 : f32 to vector<256x1xf32>
    %div3A_20 = arith.divf %broadcast_in_dim3A, %div3A_19 : vector<256x1xf32>
    %sub3A = vector.broadcast %div3A_20 : vector<256x1xf32> to vector<256x128xf32>
    %sub3A_21 = arith.subf %add3A_16, %sub3A : vector<256x128xf32>
    %integer_pow3A = arith.mulf %sub3A_21, %sub3A_21 : vector<256x128xf32>
    %reduce_sum3A_22 = arith.constant dense<0.000000e+00> : vector<256xf32>
    %reduce_sum3A_23 = vector.multi_reduction <add>, %integer_pow3A, %reduce_sum3A_22 [1] : vector<256x128xf32> to vector<256xf32>
    %broadcast_in_dim3A_24 = vector.shape_cast %reduce_sum3A_23 : vector<256xf32> to vector<256x1xf32>
    %div3A_25 = arith.constant 1.280000e+02 : f32
    %div3A_26 = vector.broadcast %div3A_25 : f32 to vector<256x1xf32>
    %div3A_27 = arith.divf %broadcast_in_dim3A_24, %div3A_26 : vector<256x1xf32>
    %sub3A_28 = vector.broadcast %div3A_20 : vector<256x1xf32> to vector<256x128xf32>
    %sub3A_29 = arith.subf %add3A_16, %sub3A_28 : vector<256x128xf32>
    %add3A_30 = arith.constant 9.99999974E-6 : f32
    %add3A_31 = vector.broadcast %add3A_30 : f32 to vector<256x1xf32>
    %add3A_32 = arith.addf %div3A_27, %add3A_31 : vector<256x1xf32>
    %sqrt3A = math.sqrt %add3A_32 : vector<256x1xf32>
    %div3A_33 = vector.broadcast %sqrt3A : vector<256x1xf32> to vector<256x128xf32>
    %div3A_34 = arith.divf %sub3A_29, %div3A_33 : vector<256x128xf32>
    %get3A_35 = arith.constant 0 : index
    %get3A_36 = arith.constant 0 : index
    %get3A_37 = vector.load %arg4[%get3A_35, %get3A_36] : memref<1x128xf32, #tpu.memory_space<vmem>>, vector<1x128xf32>
    %mul3A_38 = vector.broadcast %get3A_37 : vector<1x128xf32> to vector<256x128xf32>
    %mul3A_39 = arith.mulf %div3A_34, %mul3A_38 : vector<256x128xf32>
    %get3A_40 = arith.constant 0 : index
    %get3A_41 = arith.constant 0 : index
    %get3A_42 = vector.load %arg5[%get3A_40, %get3A_41] : memref<1x128xf32, #tpu.memory_space<vmem>>, vector<1x128xf32>
    %add3A_43 = vector.broadcast %get3A_42 : vector<1x128xf32> to vector<256x128xf32>
    %add3A_44 = arith.addf %mul3A_39, %add3A_43 : vector<256x128xf32>
    %get3A_45 = arith.constant 0 : index
    %get3A_46 = arith.constant 0 : index
    %get3A_47 = vector.load %arg6[%get3A_45, %get3A_46] : memref<128x64xf32, #tpu.memory_space<vmem>>, vector<128x64xf32>
    %dot_general3A_48 = arith.constant dense<0.000000e+00> : vector<256x64xf32>
    %dot_general3A_49 = tpu.matmul %add3A_44, %get3A_47, %dot_general3A_48 {dimension_numbers = #tpu.dot_dimension_numbers<[1], [0], [0], [1], [0, 0, 1, 1], [], []>, transpose_lhs_hint = false} : vector<256x128xf32>, vector<128x64xf32>, vector<256x64xf32> -> vector<256x64xf32>
    %get3A_50 = arith.constant 0 : index
    %get3A_51 = arith.constant 0 : index
    %get3A_52 = vector.load %arg7[%get3A_50, %get3A_51] : memref<1x64xf32, #tpu.memory_space<vmem>>, vector<1x64xf32>
    %add3A_53 = vector.broadcast %get3A_52 : vector<1x64xf32> to vector<256x64xf32>
    %add3A_54 = arith.addf %dot_general3A_49, %add3A_53 : vector<256x64xf32>
    %div3A_55 = arith.constant 1.41421354 : f32
    %div3A_56 = vector.broadcast %div3A_55 : f32 to vector<256x64xf32>
    %div3A_57 = arith.divf %add3A_54, %div3A_56 : vector<256x64xf32>
    %erf3A_58 = math.erf %div3A_57 : vector<256x64xf32>
    %add3A_59 = arith.constant 1.000000e+00 : f32
    %add3A_60 = vector.broadcast %add3A_59 : f32 to vector<256x64xf32>
    %add3A_61 = arith.addf %erf3A_58, %add3A_60 : vector<256x64xf32>
    %mul3A_62 = arith.mulf %add3A_54, %add3A_61 : vector<256x64xf32>
    %div3A_63 = arith.constant 2.000000e+00 : f32
    %div3A_64 = vector.broadcast %div3A_63 : f32 to vector<256x64xf32>
    %div3A_65 = arith.divf %mul3A_62, %div3A_64 : vector<256x64xf32>
    %get3A_66 = arith.constant 0 : index
    %get3A_67 = arith.constant 0 : index
    %get3A_68 = vector.load %arg8[%get3A_66, %get3A_67] : memref<64x1xf32, #tpu.memory_space<vmem>>, vector<64x1xf32>
    %dot_general3A_69 = arith.constant dense<0.000000e+00> : vector<256x1xf32>
    %dot_general3A_70 = tpu.matmul %div3A_65, %get3A_68, %dot_general3A_69 {dimension_numbers = #tpu.dot_dimension_numbers<[1], [0], [0], [1], [0, 0, 1, 1], [], []>, transpose_lhs_hint = false} : vector<256x64xf32>, vector<64x1xf32>, vector<256x1xf32> -> vector<256x1xf32>
    %get3A_71 = arith.constant 0 : index
    %get3A_72 = arith.constant 0 : index
    %get3A_73 = vector.load %arg9[%get3A_71, %get3A_72] : memref<1x1xf32, #tpu.memory_space<vmem>>, vector<1x1xf32>
    %add3A_74 = vector.broadcast %get3A_73 : vector<1x1xf32> to vector<256x1xf32>
    %add3A_75 = arith.addf %dot_general3A_70, %add3A_74 : vector<256x1xf32>
    %swap3A = arith.constant 0 : index
    %swap3A_76 = arith.constant 0 : index
    %swap3A_77 = vector.load %arg10[%swap3A, %swap3A_76] : memref<256x1xf32, #tpu.memory_space<vmem>>, vector<256x1xf32>
    tpu.vector_store %arg10[%swap3A, %swap3A_76], %add3A_75 {strides = array<i32>} : memref<256x1xf32, #tpu.memory_space<vmem>>, vector<256x1xf32>,
    return
  }
  func.func @transform_0(%arg0: i32) -> (i32, i32) {
    %c0_i32 = arith.constant 0 : i32
    %c0_i32_0 = arith.constant 0 : i32
    return %arg0, %c0_i32 : i32, i32
  }
  func.func @transform_1(%arg0: i32) -> (i32, i32) {
    %c0_i32 = arith.constant 0 : i32
    %c0_i32_0 = arith.constant 0 : i32
    %c0_i32_1 = arith.constant 0 : i32
    return %c0_i32, %c0_i32_0 : i32, i32
  }
  func.func @transform_2(%arg0: i32) -> (i32, i32) {
    %c0_i32 = arith.constant 0 : i32
    %c0_i32_0 = arith.constant 0 : i32
    return %arg0, %c0_i32 : i32, i32
  }
  func.func @transform_3(%arg0: i32) -> (i32, i32) {
    %c0_i32 = arith.constant 0 : i32
    %c0_i32_0 = arith.constant 0 : i32
    %c0_i32_1 = arith.constant 0 : i32
    return %c0_i32, %c0_i32_0 : i32, i32
  }
  func.func @transform_4(%arg0: i32) -> (i32, i32) {
    %c0_i32 = arith.constant 0 : i32
    %c0_i32_0 = arith.constant 0 : i32
    %c0_i32_1 = arith.constant 0 : i32
    return %c0_i32, %c0_i32_0 : i32, i32
  }
  func.func @transform_5(%arg0: i32) -> (i32, i32) {
    %c0_i32 = arith.constant 0 : i32
    %c0_i32_0 = arith.constant 0 : i32
    %c0_i32_1 = arith.constant 0 : i32
    return %c0_i32, %c0_i32_0 : i32, i32
  }
  func.func @transform_6(%arg0: i32) -> (i32, i32) {
    %c0_i32 = arith.constant 0 : i32
    %c0_i32_0 = arith.constant 0 : i32
    %c0_i32_1 = arith.constant 0 : i32
    return %c0_i32, %c0_i32_0 : i32, i32
  }
  func.func @transform_7(%arg0: i32) -> (i32, i32) {
    %c0_i32 = arith.constant 0 : i32
    %c0_i32_0 = arith.constant 0 : i32
    %c0_i32_1 = arith.constant 0 : i32
    return %c0_i32, %c0_i32_0 : i32, i32
  }
  func.func @transform_8(%arg0: i32) -> (i32, i32) {
    %c0_i32 = arith.constant 0 : i32
    %c0_i32_0 = arith.constant 0 : i32
    %c0_i32_1 = arith.constant 0 : i32
    return %c0_i32, %c0_i32_0 : i32, i32
  }
  func.func @transform_9(%arg0: i32) -> (i32, i32) {
    %c0_i32 = arith.constant 0 : i32
    %c0_i32_0 = arith.constant 0 : i32
    return %arg0, %c0_i32 : i32, i32
  }
}

</mosaic_0001>

<sc_bundles>
// kernel: kernel.12.cloned.1.call-start
scs
__scs_entry_jumppad:
0x0: {  	(pc) =	sbr.rel $0x88, $3  }
0x1: {  	(tag) =	ssettag $0x0;
	lr =	simm.s32 $0x1  }
0x2: {  	[smem:$0x3F82] =	sst lr;
	_ =	strace $0xD0000000  }
0x3: {  	_ = 	snop  }
0x4: {  	_ = 	snop  }
0x5: {  	_ = 	snop  }
0x6: {  	_ = 	snop  }
0x7: {  	_ = 	snop  }
__scs_overlays_trampoline_lowered:
0x8: {  	[smem:$0x3F91] =	sst s0  }
0x9: {  	[smem:$0x3F92] =	sst s1  }
0xa: {  	[smem:$0x3F93] =	sst s2  }
0xb: {  	[smem:$0x3F94] =	sst s3  }
0xc: {  	[smem:$0x3F95] =	sst s4  }
0xd: {  	[smem:$0x3F96] =	sst s5  }
0xe: {  	[smem:$0x3F97] =	sst s6  }
0xf: {  	[smem:$0x3F98] =	sst s7  }
0x10: {  	[smem:$0x3F99] =	sst s8  }
0x11: {  	[smem:$0x3F9A] =	sst s9;
	s0 =	simm.s32 @!p0 $0x0  }
0x12: {  	s1 =	sld [smem:$0x3F80];
	s0 =	simm.s32 @p0 $0x1  }
0x13: {  	[smem:$0x3F9B] =	sst s0;
	s0 =	simm.s32 @!p1 $0x0  }
0x14: {  	s2 =	sld [smem:$0x3F7F];
	s0 =	simm.s32 @p1 $0x1  }
0x15: {  	[smem:$0x3F9C] =	sst s0;
	s0 =	simm.s32 @!p2 $0x0  }
0x16: {  	s3 =	sld [smem:$0x3FDB];
	s0 =	simm.s32 @p2 $0x1  }
0x17: {  	s4 =	simm.s32 $0x1BF5;
	[smem:$0x3F9E] =	sst s0  }
0x18: {  	s0 =	sld [smem:$0x3F81];
	_ =	swait.ge [sflag:s4], $0x0  }
0x19: {  	s7 =	sld [smem:$0x3F82]  }
0x1a: {  	s8 =	sadd.s32 $0xFFFFE003, lr  }
0x1b: {  	s9 =	sadd.s32 $0xFFFFFEF7, lr;
	s5 =	simm.s32 $0xFFFFFFFF;
	p2 =	slt.u32 s8, $0xFFFFF086  }
0x1c: {  	p1 =	slt.u32 s9, $0xF7A;
	s5 =	simm.s32 @!p2 $0x0  }
0x1d: {  	s5 =	simm.s32 @p1 $0x1;
	p0 =	seq.s32 s7, s2  }
0x1e: {  	s7 =	smul.u32 @!p0 $0xF7A, s2;
	p2 =	seq.s32 @!p0 s5, $0x0  }
0x1f: {  	s9 =	smul.u32 $0xF7A, s1;
	s8 =	simm.s32 @!p0 $0x1BF5;
	p2 =	por !p2, p0  }
0x20: {  	[sflag:s8] =	ssyncset.s32 @!p0 $0xFFFFF086;
	s6 =	sadd.s32 @!p0 s3, s7;
	s7 =	simm.s32 @!p0 $0x108  }
0x21: {  	s3 =	sadd.s32 s3, s9;
	s6 =	sadd.s32 @!p0 $0x88, s6;
	s7 =	simm.s32 @p2 $0x1082  }
0x22: {  	[simem:s7], [sflag:s8] =	dma.local @!p0 [hbm:s6], $0xF7A  }
0x23: {  	s9 =	sor.u32 $0xD0000000, s2;
	s6 =	simm.s32 $0x108;
	_ =	swait.ge @!p0 [sflag:s8], $0x0  }
0x24: {  	s3 =	sadd.s32 $0x88, s3;
	s6 =	simm.s32 @!p1 $0x1082;
	[sflag:s4] =	ssyncset.s32 $0xFFFFF086  }
0x25: {  	[simem:s6], [sflag:s4] =	dma.local [hbm:s3], $0xF7A  }
0x26: {  	[smem:$0x3F82] =	sst s1;
	(tag) =	ssettag s2;
	_ =	strace s9  }
0x27: {  	s1 =	sld [smem:$0x3F92]  }
0x28: {  	s2 =	sld [smem:$0x3F93]  }
0x29: {  	s4 =	sld [smem:$0x3F95]  }
0x2a: {  	p0 =	seq.s32 s5, $0x0;
	s5 =	sld [smem:$0x3F96]  }
0x2b: {  	s6 =	sld [smem:$0x3F97]  }
0x2c: {  	s7 =	sld [smem:$0x3F98]  }
0x2d: {  	s3 =	simm.s32 $0x108;
	s8 =	sld [smem:$0x3F99]  }
0x2e: {  	s3 =	simm.s32 @!p0 $0x1082;
	s9 =	sld [smem:$0x3F9A]  }
0x2f: {  	lr =	sadd.s32 s0, s3;
	s0 =	sld [smem:$0x3F91]  }
0x30: {  	s3 =	sld [smem:$0x3F94]  }
0x31: {  	[smem:$0x3F9D] =	sst s10  }
0x32: {  	s10 =	sld [smem:$0x3F9B];
	_ =	sdelay $0x3  }
0x33: {  	p0 =	seq.s32 s10, $0x1;
	s10 =	sld [smem:$0x3F9D];
	_ =	sdelay $0x3  }
0x34: {  	[smem:$0x3F9D] =	sst s10  }
0x35: {  	s10 =	sld [smem:$0x3F9C];
	_ =	sdelay $0x3  }
0x36: {  	p1 =	seq.s32 s10, $0x1;
	s10 =	sld [smem:$0x3F9D];
	_ =	sdelay $0x3  }
0x37: {  	[smem:$0x3F9D] =	sst s10  }
0x38: {  	s10 =	sld [smem:$0x3F9E]  }
0x39: {  	_ = 	snop;
	(pc) =	sbr.ind lr, $3  }
0x3a: {  	_ = 	snop  }
0x3b: {  	_ = 	snop  }
0x3c: {  	p2 =	seq.s32 s10, $0x1;
	s10 =	sld [smem:$0x3F9D]  }
0x3d: {  	_ =	shalt  }
0x3e: {  	_ =	shalt  }
0x3f: {  	_ =	shalt  }
0x40: {  	_ =	shalt  }
0x41: {  	_ =	shalt  }
0x42: {  	_ =	shalt  }
0x43: {  	_ =	shalt  }
0x44: {  	_ =	shalt  }
0x45: {  	_ =	shalt  }
0x46: {  	_ =	shalt  }
0x47: {  	_ =	shalt  }
0x48: {  	_ =	shalt  }
0x49: {  	_ =	shalt  }
0x4a: {  	_ =	shalt  }
0x4b: {  	_ =	shalt  }
0x4c: {  	_ =	shalt  }
0x4d: {  	_ =	shalt  }
0x4e: {  	_ =	shalt  }
0x4f: {  	_ =	shalt  }
0x50: {  	_ =	shalt  }
0x51: {  	_ =	shalt  }
0x52: {  	_ =	shalt  }
0x53: {  	_ =	shalt  }
0x54: {  	_ =	shalt  }
0x55: {  	_ =	shalt  }
0x56: {  	_ =	shalt  }
0x57: {  	_ =	shalt  }
0x58: {  	_ =	shalt  }
0x59: {  	_ =	shalt  }
0x5a: {  	_ =	shalt  }
0x5b: {  	_ =	shalt  }
0x5c: {  	_ =	shalt  }
0x5d: {  	_ =	shalt  }
0x5e: {  	_ =	shalt  }
0x5f: {  	_ =	shalt  }
0x60: {  	_ =	shalt  }
0x61: {  	_ =	shalt  }
0x62: {  	_ =	shalt  }
0x63: {  	_ =	shalt  }
0x64: {  	_ =	shalt  }
0x65: {  	_ =	shalt  }
0x66: {  	_ =	shalt  }
0x67: {  	_ =	shalt  }
0x68: {  	_ =	shalt  }
0x69: {  	_ =	shalt  }
0x6a: {  	_ =	shalt  }
0x6b: {  	_ =	shalt  }
0x6c: {  	_ =	shalt  }
0x6d: {  	_ =	shalt  }
0x6e: {  	_ =	shalt  }
0x6f: {  	_ =	shalt  }
0x70: {  	_ =	shalt  }
0x71: {  	_ =	shalt  }
0x72: {  	_ =	shalt  }
0x73: {  	_ =	shalt  }
0x74: {  	_ =	shalt  }
0x75: {  	_ =	shalt  }
0x76: {  	_ =	shalt  }
0x77: {  	_ =	shalt  }
0x78: {  	_ =	shalt  }
0x79: {  	_ =	shalt  }
0x7a: {  	_ =	shalt  }
0x7b: {  	_ =	shalt  }
0x7c: {  	_ =	shalt  }
0x7d: {  	_ =	shalt  }
0x7e: {  	_ =	shalt  }
0x7f: {  	_ =	shalt  }
0x80: {  	_ =	shalt  }
0x81: {  	_ =	shalt  }
0x82: {  	_ =	shalt  }
0x83: {  	_ =	shalt  }
0x84: {  	_ =	shalt  }
0x85: {  	_ =	shalt  }
0x86: {  	_ =	shalt  }
0x87: {  	_ =	shalt  }
.Lfunc_end0:
.L_simem_size_0:
called_computation.1_lowered:
.L_overlay_start_0:
0x88: {  	s2 =	sld [smem:$0x3FD9]  }
0x89: {  	s3 =	sld [smem:$0x3FFE];
	_ =	sdelay $0x1  }
0x8a: {  	s1 =	srdreg.scid  }
0x8b: {  	s0 =	sand.u32 $0x1, s1  }
0x8c: {  	s17 =	sshll.u32 s0, $0xA;
	s2 =	sadd.s32 s3, s2  }
0x8d: {  	s2 =	sadd.s32 s2, s17  }
0x8e: {  	[smem:$0x3FA9] =	sst s2  }
0x8f: {  	_ = 	snop  }
0x90: {  	s2 =	sld [smem:$0x3FC8];
	(tm) =	ssettm $0x1  }
0x91: {  	s18 =	sld [smem:$0x3FFB];
	_ =	sdelay $0x3  }
0x92: {  	_ =	strace s18  }
0x93: {  	s3 =	sld [smem:$0x3FFC];
	_ =	sdelay $0x3  }
0x94: {  	_ =	strace s3  }
0x95: {  	s3 =	sld [smem:$0x3FFD];
	_ =	sdelay $0x3  }
0x96: {  	_ =	strace s3  }
0x97: {  	_ =	strace $0x8FFFFFFF  }
0x98: {  	s19 =	sld [smem:$0x3FDB];
	_ =	sdelay $0x1  }
0x99: {  	s4 =	simm.s32 $_scs_section_size  }
0x9a: {  	s5 =	simm.s32 $_size__tile_overlayer_lowered;
	s6 =	simm.s32 $_tile_overlayer_lowered  }
0x9b: {  	s22 =	simm.s32 $0x1BFF;
	s21 =	sshll.u32 s6, $0x1;
	s3 =	sadd.s32 s4, s19  }
0x9c: {  	s7 =	simm.s32 $0x0;
	s20 =	sshll.u32 s5, $0x1;
	s5 =	sadd.s32 s21, s3  }
0x9d: {  	[timem:s7], [sflag:s22] =	dma.local [hbm:s5], s20  }
0x9e: {  	_ =	swait.ge [sflag:s22], s20  }
0x9f: {  	s4 =	ssub.s32 $0x0, s20;
	[sflag:s22] =	ssyncset.done $0x0  }
0xa0: {  	[sflag:s22] =	ssyncadd.s32 s4;
	_ =	sdelay $0x1  }
0xa1: {  	s23 =	simm.s32 $0x1B8B  }
0xa2: {  	_ =	swait.ge [sflag:s23], $0x1  }
0xa3: {  	[sflag:s23] =	ssyncset.done $0x0  }
0xa4: {  	s25 =	simm.s32 $0x1B8E;
	s24 =	sld [smem:$0x3FFE];
	[sflag:s23] =	ssyncadd.s32 $0xFFFFFFFF  }
0xa5: {  	s26 =	simm.s32 $execute0_lowered;
	[smem:$0x3FD2] =	sst s25  }
0xa6: {  	s5 =	sshll.u32 s26, $0x1;
	_ =	strace $0x80000046;
	[dreg:$0x1] =	wrdreg $0xFFFFFFFF  }
0xa7: {  	s28 =	simm.s32 $_size_execute0_lowered;
	s3 =	sadd.s32 s3, s5;
	[dreg:$0x0] =	wrdreg $0x0  }
0xa8: {  	s5 =	sshll.u32 s28, $0x1;
	[dreg:$0x2] =	wrdreg s3  }
0xa9: {  	[dreg:$0x3] =	wrdreg s5  }
0xaa: {  	[dreg:$0x4] =	wrdreg $0xC0  }
0xab: {  	_ =	task [dreg:s7], $0x5FFFF  }
0xac: {  	[dreg:$0x1] =	wrdreg $0xFFFFFFFF  }
0xad: {  	[dreg:$0x0] =	wrdreg $0x60  }
0xae: {  	[dreg:$0x2] =	wrdreg s2  }
0xaf: {  	[dreg:$0x3] =	wrdreg s24  }
0xb0: {  	[dreg:$0x4] =	wrdreg $0xA  }
0xb1: {  	_ =	task.clear_ibuf [dreg:s7], $0x5FFFF;
	_ =	strace $0x90000046  }
0xb2: {  	s29 =	simm.s32 $0xA;
	_ =	strace $0x80000048  }
0xb3: {  	_ =	swait.ge [sflag:s29], $0x1  }
0xb4: {  	[sflag:s29] =	ssyncadd.s32 $0xFFFFFFFF  }
0xb5: {  	_ =	strace $0x90000048  }
0xb6: {  	_ =	sfence  }
0xb7: {  	s30 =	sld [smem:$0x0];
	_ =	sdelay $0x2  }
0xb8: {  	s31 =	sshll.u32 s1, $0xD;
	s1 =	sshrl.u32 s1, $0x2  }
0xb9: {  	s3 =	sand.u32 $0x4000, s31;
	s1 =	sadd.s32 s1, s30  }
0xba: {  	s0 =	sor.u32 s3, s0;
	s1 =	sshll.u32 s1, $0x11  }
0xbb: {  	s0 =	sor.u32 s1, s0  }
0xbc: {  	s0 =	sadd.s32 $0x8F2B, s0  }
0xbd: {  	[sflag:s0] =	ssyncadd.remote.s32 $0x1  }
0xbe: {  	_ =	sfence.sel $0xFFFF  }
0xbf: {  	[dreg:$0x0] =	wrdreg $0xFFFFFFFF;
	(pc) =	sbr.abs _section_cstart, $3  }
0xc0: {  	[dreg:$0x1] =	wrdreg $0xFFFFFFFF  }
0xc1: {  	_ =	task.clear_ibuf [dreg:s7], $0x2FFFF;
	_ =	strace $0x9FFFFFFF  }
0xc2: {  	(tm) =	ssettm $0x7FFFFFFF  }
0xc3: {  	_ =	shalt  }
tec
execute0_lowered:
.L_overlay_start_1:
0x0: {  	(tag) =	ssettag $0x1  }
0x1: {  	s1 =	srdreg.scid;
	s3 =	rddreg [dreg:$0x0]  }
0x2: {  	s0 =	stileid.u32;
	s9 =	rddreg [dreg:$0x1]  }
0x3: {  	s2 =	simm.s32 $0x0;
	s7 =	simm.s32 $0x80;
	s6 =	sand.u32 $0x1, s1  }
0x4: {  	s4 =	sshll.u32 s0, $0x6;
	s1 =	rddreg [dreg:$0x2];
	s5 =	sshll.u32 s6, $0x5  }
0x5: {  	s8 =	simm.s32 $0x1;
	[smem:$0x7FF] =	sst s2;
	s10 =	sor.u32 s5, s4  }
0x6: {  	_ =	strace $0x80000047;
	s11 =	ssub.s32 $0x2, s6;
	s4 =	sshrl.u32 s10, $0x3  }
0x7: {  	s6 =	simm.s32 $0x20;
	s4 =	sadd.s32 s3, s4;
	s3 =	simm.s32 $0x2  }
0x8: {  	[tilespmem:s2], [sflag:$0x2] =	stream.linear.gather [hbm4b:s4+s2], $0x20, $0x38;
	[tilespmem:$0x1080] =	vst v63  }
0x9: {  	s5 =	sadd.s32 $0x4600, s9;
	s12 =	sshrl.u32 s11, $0x1;
	_ =	swait.ge [sflag:s3], $0x20  }
0xa: {  	s10 =	sshll.u32 s10, $0x4;
	s31 =	ssub.s32 s11, s12;
	[sflag:s3] =	ssyncset.done $0x0  }
0xb: {  	s9 =	sadd.s32 s10, s9;
	s10 =	smax.u32 s31, $0x1;
	[sflag:s3] =	ssyncadd.s32 $0xFFFFFFE0  }
0xc: {  	[tilespmem:s7], [sflag:$0x1] =	stream.indirect.gather [hbm4b:s5+s6], $0x80, s2, s6, $0xb8;
	[tilespmem:$0x1080] =	vst v63  }
0xd: {  	p0 =	sne.s32 s10, $0x1;
	_ =	swait.ge [sflag:s8], $0x1000  }
.Ltmp0:
0xe: {  	[sflag:s8] =	ssyncset.done $0x0;
	(pc) =	sbr.rel @!p0 .LBB2_2-.Ltmp0, $4  }
0xf: {  	s9 =	sadd.s32 $0x14600, s9;
	[sflag:s8] =	ssyncadd.s32 $0xFFFFF000  }
0x10: {  	[hbm4b:s9+s2] =	stream.linear.scatter [tilespmem:s7], [sflag:$0x2], $0x1000, $0x38;
	[tilespmem:$0x1080] =	vst v63  }
0x11: {  	_ =	swait.ge [sflag:s3], $0x1000  }
0x12: {  	s10 =	sadd.s32 $0xFFFFFFFF, s10;
	[sflag:s3] =	ssyncset.done $0x0  }
.LBB2_1:
0x13: {  	p0 =	sne.s32 s10, $0x1;
	s10 =	sadd.s32 $0xFFFFFFFF, s10;
	[sflag:s3] =	ssyncadd.s32 $0xFFFFF000  }
0x14: {  	[tilespmem:s2], [sflag:$0x2] =	stream.linear.gather [hbm4b:s4+s2], $0x20, $0x38;
	[tilespmem:$0x1080] =	vst v63  }
0x15: {  	_ =	swait.ge [sflag:s3], $0x20  }
0x16: {  	[sflag:s3] =	ssyncset.done $0x0  }
0x17: {  	[sflag:s3] =	ssyncadd.s32 $0xFFFFFFE0  }
0x18: {  	[tilespmem:s7], [sflag:$0x1] =	stream.indirect.gather [hbm4b:s5+s6], $0x80, s2, s6, $0xb8;
	[tilespmem:$0x1080] =	vst v63  }
0x19: {  	_ =	swait.ge [sflag:s8], $0x1000  }
.Ltmp1:
0x1a: {  	[sflag:s8] =	ssyncset.done $0x0;
	(pc) =	sbr.rel @p0 .LBB2_1-.Ltmp1, $4  }
0x1b: {  	[sflag:s8] =	ssyncadd.s32 $0xFFFFF000  }
0x1c: {  	[hbm4b:s9+s2] =	stream.linear.scatter [tilespmem:s7], [sflag:$0x2], $0x1000, $0x38;
	[tilespmem:$0x1080] =	vst v63  }
0x1d: {  	_ =	swait.ge [sflag:s3], $0x1000  }
0x1e: {  	[sflag:s3] =	ssyncset.done $0x0  }
.LBB2_2:
0x1f: {  	[sflag:s3] =	ssyncadd.s32 $0xFFFFF000  }
0x20: {  	_ =	sfence.sel $0x180000  }
0x21: {  	[bflag:$0x0] =	sbarrier.arrive $0xFFFF  }
0x22: {  	p0 =	sne.s32 s0, $0x0;
	_ =	strace $0x90000047  }
0x23: {  	s0 =	sadd.s32 @!p0 $0x100000, s1;
	[bflag:$0x2] =	sbarrier.arrive $0xFFFF  }
0x24: {  	[sflag:s0] =	ssyncadd.tile.s32 @!p0 $0x1;
	_ =	shalt  }
.Lfunc_end2:
_tile_overlayer_lowered:
.L_overlay_start_2:
0x25: {  	(tag) =	ssettag $0x2  }
0x26: {  	s0 =	rddreg [dreg:$0x0];
	s2 =	stileid.u32  }
0x27: {  	s1 =	rddreg [dreg:$0x1];
	p0 =	sne.s32 s2, $0x0  }
0x28: {  	s3 =	rddreg [dreg:$0x2];
	[bflag:$0x3] =	sbarrier.arrive $0xFFFF;
	s2 =	simm.s32 @!p0 $0x1C02  }
0x29: {  	[timem:s3], [sflag:s2] =	dma.local @!p0 [hbm:s0], s1  }
0x2a: {  	s0 =	simm.s32 @!p0 $0x2  }
0x2b: {  	_ =	swait.ge @!p0 [sflag:s0], s1  }
0x2c: {  	s1 =	ssub.s32 @!p0 $0x0, s1;
	[sflag:s0] =	ssyncset.done @!p0 $0x0  }
0x2d: {  	[sflag:s0] =	ssyncadd.s32 @!p0 s1  }
0x2e: {  	[bflag:$0x3] =	sbarrier.arrive $0xFFFF  }
0x2f: {  	_ =	shalt  }

// kernel: kernel.9.cloned.1.call-start
scs
__scs_entry_jumppad:
0x0: {  	(pc) =	sbr.rel $0x88, $3  }
0x1: {  	(tag) =	ssettag $0x0;
	lr =	simm.s32 $0x1  }
0x2: {  	[smem:$0x3F82] =	sst lr;
	_ =	strace $0xD0000000  }
0x3: {  	_ = 	snop  }
0x4: {  	_ = 	snop  }
0x5: {  	_ = 	snop  }
0x6: {  	_ = 	snop  }
0x7: {  	_ = 	snop  }
__scs_overlays_trampoline_lowered:
0x8: {  	[smem:$0x3F91] =	sst s0  }
0x9: {  	[smem:$0x3F92] =	sst s1  }
0xa: {  	[smem:$0x3F93] =	sst s2  }
0xb: {  	[smem:$0x3F94] =	sst s3  }
0xc: {  	[smem:$0x3F95] =	sst s4  }
0xd: {  	[smem:$0x3F96] =	sst s5  }
0xe: {  	[smem:$0x3F97] =	sst s6  }
0xf: {  	[smem:$0x3F98] =	sst s7  }
0x10: {  	[smem:$0x3F99] =	sst s8  }
0x11: {  	[smem:$0x3F9A] =	sst s9;
	s0 =	simm.s32 @!p0 $0x0  }
0x12: {  	s1 =	sld [smem:$0x3F80];
	s0 =	simm.s32 @p0 $0x1  }
0x13: {  	[smem:$0x3F9B] =	sst s0;
	s0 =	simm.s32 @!p1 $0x0  }
0x14: {  	s2 =	sld [smem:$0x3F7F];
	s0 =	simm.s32 @p1 $0x1  }
0x15: {  	[smem:$0x3F9C] =	sst s0;
	s0 =	simm.s32 @!p2 $0x0  }
0x16: {  	s3 =	sld [smem:$0x3FDB];
	s0 =	simm.s32 @p2 $0x1  }
0x17: {  	s4 =	simm.s32 $0x1BF5;
	[smem:$0x3F9E] =	sst s0  }
0x18: {  	s0 =	sld [smem:$0x3F81];
	_ =	swait.ge [sflag:s4], $0x0  }
0x19: {  	s7 =	sld [smem:$0x3F82]  }
0x1a: {  	s8 =	sadd.s32 $0xFFFFE003, lr  }
0x1b: {  	s9 =	sadd.s32 $0xFFFFFEF7, lr;
	s5 =	simm.s32 $0xFFFFFFFF;
	p2 =	slt.u32 s8, $0xFFFFF086  }
0x1c: {  	p1 =	slt.u32 s9, $0xF7A;
	s5 =	simm.s32 @!p2 $0x0  }
0x1d: {  	s5 =	simm.s32 @p1 $0x1;
	p0 =	seq.s32 s7, s2  }
0x1e: {  	s7 =	smul.u32 @!p0 $0xF7A, s2;
	p2 =	seq.s32 @!p0 s5, $0x0  }
0x1f: {  	s9 =	smul.u32 $0xF7A, s1;
	s8 =	simm.s32 @!p0 $0x1BF5;
	p2 =	por !p2, p0  }
0x20: {  	[sflag:s8] =	ssyncset.s32 @!p0 $0xFFFFF086;
	s6 =	sadd.s32 @!p0 s3, s7;
	s7 =	simm.s32 @!p0 $0x108  }
0x21: {  	s3 =	sadd.s32 s3, s9;
	s6 =	sadd.s32 @!p0 $0x88, s6;
	s7 =	simm.s32 @p2 $0x1082  }
0x22: {  	[simem:s7], [sflag:s8] =	dma.local @!p0 [hbm:s6], $0xF7A  }
0x23: {  	s9 =	sor.u32 $0xD0000000, s2;
	s6 =	simm.s32 $0x108;
	_ =	swait.ge @!p0 [sflag:s8], $0x0  }
0x24: {  	s3 =	sadd.s32 $0x88, s3;
	s6 =	simm.s32 @!p1 $0x1082;
	[sflag:s4] =	ssyncset.s32 $0xFFFFF086  }
0x25: {  	[simem:s6], [sflag:s4] =	dma.local [hbm:s3], $0xF7A  }
0x26: {  	[smem:$0x3F82] =	sst s1;
	(tag) =	ssettag s2;
	_ =	strace s9  }
0x27: {  	s1 =	sld [smem:$0x3F92]  }
0x28: {  	s2 =	sld [smem:$0x3F93]  }
0x29: {  	s4 =	sld [smem:$0x3F95]  }
0x2a: {  	p0 =	seq.s32 s5, $0x0;
	s5 =	sld [smem:$0x3F96]  }
0x2b: {  	s6 =	sld [smem:$0x3F97]  }
0x2c: {  	s7 =	sld [smem:$0x3F98]  }
0x2d: {  	s3 =	simm.s32 $0x108;
	s8 =	sld [smem:$0x3F99]  }
0x2e: {  	s3 =	simm.s32 @!p0 $0x1082;
	s9 =	sld [smem:$0x3F9A]  }
0x2f: {  	lr =	sadd.s32 s0, s3;
	s0 =	sld [smem:$0x3F91]  }
0x30: {  	s3 =	sld [smem:$0x3F94]  }
0x31: {  	[smem:$0x3F9D] =	sst s10  }
0x32: {  	s10 =	sld [smem:$0x3F9B];
	_ =	sdelay $0x3  }
0x33: {  	p0 =	seq.s32 s10, $0x1;
	s10 =	sld [smem:$0x3F9D];
	_ =	sdelay $0x3  }
0x34: {  	[smem:$0x3F9D] =	sst s10  }
0x35: {  	s10 =	sld [smem:$0x3F9C];
	_ =	sdelay $0x3  }
0x36: {  	p1 =	seq.s32 s10, $0x1;
	s10 =	sld [smem:$0x3F9D];
	_ =	sdelay $0x3  }
0x37: {  	[smem:$0x3F9D] =	sst s10  }
0x38: {  	s10 =	sld [smem:$0x3F9E]  }
0x39: {  	_ = 	snop;
	(pc) =	sbr.ind lr, $3  }
0x3a: {  	_ = 	snop  }
0x3b: {  	_ = 	snop  }
0x3c: {  	p2 =	seq.s32 s10, $0x1;
	s10 =	sld [smem:$0x3F9D]  }
0x3d: {  	_ =	shalt  }
0x3e: {  	_ =	shalt  }
0x3f: {  	_ =	shalt  }
0x40: {  	_ =	shalt  }
0x41: {  	_ =	shalt  }
0x42: {  	_ =	shalt  }
0x43: {  	_ =	shalt  }
0x44: {  	_ =	shalt  }
0x45: {  	_ =	shalt  }
0x46: {  	_ =	shalt  }
0x47: {  	_ =	shalt  }
0x48: {  	_ =	shalt  }
0x49: {  	_ =	shalt  }
0x4a: {  	_ =	shalt  }
0x4b: {  	_ =	shalt  }
0x4c: {  	_ =	shalt  }
0x4d: {  	_ =	shalt  }
0x4e: {  	_ =	shalt  }
0x4f: {  	_ =	shalt  }
0x50: {  	_ =	shalt  }
0x51: {  	_ =	shalt  }
0x52: {  	_ =	shalt  }
0x53: {  	_ =	shalt  }
0x54: {  	_ =	shalt  }
0x55: {  	_ =	shalt  }
0x56: {  	_ =	shalt  }
0x57: {  	_ =	shalt  }
0x58: {  	_ =	shalt  }
0x59: {  	_ =	shalt  }
0x5a: {  	_ =	shalt  }
0x5b: {  	_ =	shalt  }
0x5c: {  	_ =	shalt  }
0x5d: {  	_ =	shalt  }
0x5e: {  	_ =	shalt  }
0x5f: {  	_ =	shalt  }
0x60: {  	_ =	shalt  }
0x61: {  	_ =	shalt  }
0x62: {  	_ =	shalt  }
0x63: {  	_ =	shalt  }
0x64: {  	_ =	shalt  }
0x65: {  	_ =	shalt  }
0x66: {  	_ =	shalt  }
0x67: {  	_ =	shalt  }
0x68: {  	_ =	shalt  }
0x69: {  	_ =	shalt  }
0x6a: {  	_ =	shalt  }
0x6b: {  	_ =	shalt  }
0x6c: {  	_ =	shalt  }
0x6d: {  	_ =	shalt  }
0x6e: {  	_ =	shalt  }
0x6f: {  	_ =	shalt  }
0x70: {  	_ =	shalt  }
0x71: {  	_ =	shalt  }
0x72: {  	_ =	shalt  }
0x73: {  	_ =	shalt  }
0x74: {  	_ =	shalt  }
0x75: {  	_ =	shalt  }
0x76: {  	_ =	shalt  }
0x77: {  	_ =	shalt  }
0x78: {  	_ =	shalt  }
0x79: {  	_ =	shalt  }
0x7a: {  	_ =	shalt  }
0x7b: {  	_ =	shalt  }
0x7c: {  	_ =	shalt  }
0x7d: {  	_ =	shalt  }
0x7e: {  	_ =	shalt  }
0x7f: {  	_ =	shalt  }
0x80: {  	_ =	shalt  }
0x81: {  	_ =	shalt  }
0x82: {  	_ =	shalt  }
0x83: {  	_ =	shalt  }
0x84: {  	_ =	shalt  }
0x85: {  	_ =	shalt  }
0x86: {  	_ =	shalt  }
0x87: {  	_ =	shalt  }
.Lfunc_end0:
.L_simem_size_0:
called_computation_lowered:
.L_overlay_start_0:
0x88: {  	s2 =	sld [smem:$0x3FD9]  }
0x89: {  	s3 =	sld [smem:$0x3FFE];
	_ =	sdelay $0x1  }
0x8a: {  	s1 =	srdreg.scid  }
0x8b: {  	s0 =	sand.u32 $0x1, s1  }
0x8c: {  	s17 =	sshll.u32 s0, $0xA;
	s2 =	sadd.s32 s3, s2  }
0x8d: {  	s2 =	sadd.s32 s2, s17  }
0x8e: {  	[smem:$0x3FA9] =	sst s2  }
0x8f: {  	_ = 	snop  }
0x90: {  	s18 =	sld [smem:$0x3FC8]  }
0x91: {  	s4 =	sld [smem:$0x3FC7];
	(tm) =	ssettm $0x1  }
0x92: {  	s19 =	sld [smem:$0x3FFB];
	_ =	sdelay $0x3  }
0x93: {  	_ =	strace s19  }
0x94: {  	s2 =	sld [smem:$0x3FFC];
	_ =	sdelay $0x3  }
0x95: {  	_ =	strace s2  }
0x96: {  	s2 =	sld [smem:$0x3FFD];
	_ =	sdelay $0x3  }
0x97: {  	_ =	strace s2  }
0x98: {  	_ =	strace $0x8FFFFFFF  }
0x99: {  	s20 =	sld [smem:$0x3FDB];
	_ =	sdelay $0x1  }
0x9a: {  	s5 =	simm.s32 $_scs_section_size  }
0x9b: {  	s6 =	simm.s32 $_size__tile_overlayer_lowered;
	s7 =	simm.s32 $_tile_overlayer_lowered  }
0x9c: {  	s8 =	simm.s32 $0x1BFF;
	s21 =	sshll.u32 s7, $0x1;
	s5 =	sadd.s32 s5, s20  }
0x9d: {  	s22 =	simm.s32 $0x0;
	s6 =	sshll.u32 s6, $0x1;
	s7 =	sadd.s32 s21, s5  }
0x9e: {  	[timem:s22], [sflag:s8] =	dma.local [hbm:s7], s6  }
0x9f: {  	_ =	swait.ge [sflag:s8], s6  }
0xa0: {  	s6 =	ssub.s32 $0x0, s6;
	[sflag:s8] =	ssyncset.done $0x0  }
0xa1: {  	[sflag:s8] =	ssyncadd.s32 s6;
	_ =	sdelay $0x1  }
0xa2: {  	s23 =	simm.s32 $0x1B8B  }
0xa3: {  	_ =	swait.ge [sflag:s23], $0x1  }
0xa4: {  	[sflag:s23] =	ssyncset.done $0x0  }
0xa5: {  	[sflag:s23] =	ssyncadd.s32 $0xFFFFFFFF  }
0xa6: {  	s6 =	sld [smem:$0x0]  }
0xa7: {  	s7 =	sand.u32 $0xFFFFFFFE, s1  }
0xa8: {  	p0 =	sne.s32 s1, s7  }
0xa9: {  	s7 =	sshll.u32 @p0 s7, $0xE  }
0xaa: {  	s7 =	sadd.s32 @p0 $0x11B8D, s7;
	s8 =	sshll.u32 @p0 s6, $0x11  }
0xab: {  	s7 =	sor.u32 @p0 s8, s7  }
0xac: {  	[sflag:s7] =	ssyncadd.remote.s32 @p0 $0x1;
	_ =	sdelay $0x1  }
0xad: {  	s7 =	simm.s32 @p0 $0x1B8D  }
0xae: {  	_ =	swait.eq @p0 [sflag:s7], $0x1  }
0xaf: {  	[sflag:s7] =	ssyncadd.s32 @p0 $0xFFFFFFFF  }
0xb0: {  	s8 =	sshll.u32 @!p0 s1, $0xE  }
0xb1: {  	s8 =	sor.u32 @!p0 $0x4000, s8;
	s7 =	simm.s32 @!p0 $0x1B8D  }
0xb2: {  	s6 =	sshll.u32 @!p0 s6, $0x11;
	s8 =	sadd.s32 @!p0 $0x11B8D, s8;
	_ =	swait.eq @!p0 [sflag:s7], $0x1  }
0xb3: {  	s6 =	sor.u32 @!p0 s6, s8;
	[sflag:s7] =	ssyncadd.s32 @!p0 $0xFFFFFFFF  }
0xb4: {  	s25 =	simm.s32 $0x1B8E;
	s24 =	sld [smem:$0x3FFE];
	[sflag:s6] =	ssyncadd.remote.s32 @!p0 $0x1  }
0xb5: {  	s26 =	simm.s32 $execute0_lowered;
	[smem:$0x3FD2] =	sst s25  }
0xb6: {  	s7 =	sshll.u32 s26, $0x1;
	_ =	strace $0x80000049;
	[dreg:$0x1] =	wrdreg $0xFFFFFFFF  }
0xb7: {  	s28 =	simm.s32 $_size_execute0_lowered;
	s5 =	sadd.s32 s5, s7;
	[dreg:$0x0] =	wrdreg $0x0  }
0xb8: {  	s7 =	sshll.u32 s28, $0x1;
	[dreg:$0x2] =	wrdreg s5  }
0xb9: {  	[dreg:$0x3] =	wrdreg s7  }
0xba: {  	[dreg:$0x4] =	wrdreg $0xC0  }
0xbb: {  	_ =	task [dreg:s22], $0x5FFFF  }
0xbc: {  	[dreg:$0x1] =	wrdreg $0xFFFFFFFF  }
0xbd: {  	[dreg:$0x0] =	wrdreg $0x60  }
0xbe: {  	[dreg:$0x2] =	wrdreg s18  }
0xbf: {  	[dreg:$0x3] =	wrdreg s4  }
0xc0: {  	[dreg:$0x4] =	wrdreg s24  }
0xc1: {  	[dreg:$0x5] =	wrdreg $0x9  }
0xc2: {  	_ =	task.clear_ibuf [dreg:s22], $0x6FFFF;
	_ =	strace $0x90000049  }
0xc3: {  	s29 =	simm.s32 $0x9;
	_ =	strace $0x8000004B  }
0xc4: {  	_ =	swait.ge [sflag:s29], $0x1  }
0xc5: {  	[sflag:s29] =	ssyncadd.s32 $0xFFFFFFFF  }
0xc6: {  	_ =	strace $0x9000004B  }
0xc7: {  	_ =	sfence  }
0xc8: {  	s30 =	sld [smem:$0x0];
	_ =	sdelay $0x2  }
0xc9: {  	s31 =	sshll.u32 s1, $0xD;
	s1 =	sshrl.u32 s1, $0x2  }
0xca: {  	s4 =	sand.u32 $0x4000, s31;
	s1 =	sadd.s32 s1, s30  }
0xcb: {  	s0 =	sor.u32 s4, s0;
	s1 =	sshll.u32 s1, $0x11  }
0xcc: {  	s0 =	sor.u32 s1, s0  }
0xcd: {  	s0 =	sadd.s32 $0x8F2B, s0  }
0xce: {  	[sflag:s0] =	ssyncadd.remote.s32 $0x1  }
0xcf: {  	_ =	sfence.sel $0xFFFF  }
0xd0: {  	[dreg:$0x0] =	wrdreg $0xFFFFFFFF;
	(pc) =	sbr.abs _section_cstart, $3  }
0xd1: {  	[dreg:$0x1] =	wrdreg $0xFFFFFFFF  }
0xd2: {  	_ =	task.clear_ibuf [dreg:s22], $0x2FFFF;
	_ =	strace $0x9FFFFFFF  }
0xd3: {  	(tm) =	ssettm $0x7FFFFFFF  }
tec
execute0_lowered:
.L_overlay_start_1:
0x0: {  	(tag) =	ssettag $0x1  }
0x1: {  	s0 =	rddreg [dreg:$0x0]  }
0x2: {  	s1 =	srdreg.scid;
	s2 =	rddreg [dreg:$0x1]  }
0x3: {  	s3 =	stileid.u32;
	s4 =	rddreg [dreg:$0x2];
	s22 =	simm.s32 $0x880  }
0x4: {  	s23 =	simm.s32 $0x1080;
	s24 =	simm.s32 $0x1880;
	s28 =	simm.s32 $0x3080  }
0x5: {  	s29 =	simm.s32 $0x3880;
	s30 =	simm.s32 $0x4080;
	s31 =	simm.s32 $0x4880  }
0x6: {  	s1 =	sand.u32 $0x1, s1;
	s5 =	sshll.u32 s3, $0x6;
	s3 =	simm.s32 $0x0  }
0x7: {  	s19 =	sadd.s32 $0x18600, s4;
	s4 =	sadd.s32 $0x100, s2;
	s7 =	sadd.s32 $0x400, s2  }
0x8: {  	s8 =	sadd.s32 $0x500, s2;
	s9 =	sadd.s32 $0x600, s2;
	s10 =	sadd.s32 $0x700, s2  }
0x9: {  	s11 =	sadd.s32 $0x800, s2;
	s12 =	sadd.s32 $0x900, s2;
	s13 =	sadd.s32 $0xA00, s2  }
0xa: {  	s14 =	sadd.s32 $0xB00, s2;
	s15 =	sadd.s32 $0xC00, s2;
	s16 =	sadd.s32 $0xD00, s2  }
0xb: {  	s6 =	sshll.u32 s1, $0x5;
	[smem:$0x7FF] =	sst s3;
	s1 =	ssub.s32 $0x2, s1  }
0xc: {  	s17 =	sor.u32 s6, s5;
	_ =	strace $0x8000004A;
	s25 =	sshrl.u32 s1, $0x1  }
0xd: {  	s6 =	sadd.s32 $0x300, s2;
	s5 =	sshrl.u32 s17, $0x3;
	s1 =	ssub.s32 s1, s25  }
0xe: {  	s18 =	sshll.u32 s17, $0x9;
	s20 =	sor.u32 $0x10, s17;
	s17 =	sadd.s32 $0xE00, s2  }
0xf: {  	s25 =	simm.s32 $0x2080;
	s5 =	sadd.s32 s0, s5;
	s18 =	sadd.s32 s19, s18  }
0x10: {  	s21 =	sshrl.u32 s20, $0x3;
	s20 =	sshll.u32 s20, $0x9;
	[dreg:$0x4] =	wrdreg s5  }
0x11: {  	s5 =	sadd.s32 $0x200, s2;
	[dreg:$0x5] =	wrdreg s18;
	s0 =	sadd.s32 s0, s21  }
0x12: {  	v2 =	vlaneseq.u32;
	s18 =	sadd.s32 $0xF00, s2;
	s26 =	sadd.s32 s19, s20;
	s19 =	smax.u32 s1, $0x1  }
0x13: {  	vm0 =	vmmov $0xffff;
	v1 =	vshrl.u32 v2, $0x3;
	s20 =	simm.s32 $0x2;
	s1 =	simm.s32 $0x1;
	[dreg:$0x6] =	wrdreg s0  }
0x14: {  	v0 =	vand.u32 $0x7, v2;
	v2 =	vor.u32 $0x8, v2;
	v1 =	vmul.u32 $0x8, v1;
	s2 =	simm.s32 $0x80;
	[dreg:$0x7] =	wrdreg s26;
	s26 =	simm.s32 $0x2880  }
.LBB2_1:
0x15: {  	s0 =	rddreg [dreg:$0x4]  }
0x16: {  	[tilespmem:s3], [sflag:$0x2] =	stream.linear.gather [hbm4b:s0+s3], $0x10, $0x38;
	[tilespmem:$0x10080] =	vst v63  }
0x17: {  	_ =	swait.ge [sflag:s20], $0x10  }
0x18: {  	[sflag:s20] =	ssyncset.done $0x0  }
0x19: {  	[sflag:s20] =	ssyncadd.s32 $0xFFFFFFF0  }
0x1a: {  	v3 =	vld [tilespmem:$0x0];
	_ =	sdelay $0x4  }
0x1b: {  	v4 =	vshll.u32 v3, $0x5  }
0x1c: {  	v3 =	vand.u32 $0x7, v3;
	v4 =	vand.u32 $0xFFFFFF00, v4  }
0x1d: {  	v3 =	vor.u32 v3, v4  }
0x1e: {  	v4 =	vperm.xlane v3, v0;
	_ =	sdelay $0x1  }
0x1f: {  	v4 =	vadd.s32 v1, v4;
	_ =	sdelay $0x3  }
0x20: {  	s21 =	rddreg [dreg:$0x1]  }
0x21: {  	[tilespmem:s2], [sflag:$0x1] =	stream.indirect_vreg.gather [hbm4b:s21+s3], $0x80, v4, vm0, $0xb8;
	[tilespmem:$0x10080] =	vst v63  }
0x22: {  	_ = 	snop  }
0x23: {  	[tilespmem:s22], [sflag:$0x1] =	stream.indirect_vreg.gather [hbm4b:s4+s3], $0x80, v4, vm0, $0xb8;
	[tilespmem:$0x10080] =	vst v63  }
0x24: {  	_ = 	snop  }
0x25: {  	[tilespmem:s23], [sflag:$0x1] =	stream.indirect_vreg.gather [hbm4b:s5+s3], $0x80, v4, vm0, $0xb8;
	[tilespmem:$0x10080] =	vst v63  }
0x26: {  	_ = 	snop  }
0x27: {  	[tilespmem:s24], [sflag:$0x1] =	stream.indirect_vreg.gather [hbm4b:s6+s3], $0x80, v4, vm0, $0xb8;
	[tilespmem:$0x10080] =	vst v63  }
0x28: {  	_ = 	snop  }
0x29: {  	[tilespmem:s25], [sflag:$0x1] =	stream.indirect_vreg.gather [hbm4b:s7+s3], $0x80, v4, vm0, $0xb8;
	[tilespmem:$0x10080] =	vst v63  }
0x2a: {  	_ = 	snop  }
0x2b: {  	[tilespmem:s26], [sflag:$0x1] =	stream.indirect_vreg.gather [hbm4b:s8+s3], $0x80, v4, vm0, $0xb8;
	[tilespmem:$0x10080] =	vst v63  }
0x2c: {  	_ = 	snop  }
0x2d: {  	[tilespmem:s28], [sflag:$0x1] =	stream.indirect_vreg.gather [hbm4b:s9+s3], $0x80, v4, vm0, $0xb8;
	[tilespmem:$0x10080] =	vst v63  }
0x2e: {  	_ = 	snop  }
0x2f: {  	[tilespmem:s29], [sflag:$0x1] =	stream.indirect_vreg.gather [hbm4b:s10+s3], $0x80, v4, vm0, $0xb8;
	[tilespmem:$0x10080] =	vst v63  }
0x30: {  	_ = 	snop  }
0x31: {  	[tilespmem:s30], [sflag:$0x1] =	stream.indirect_vreg.gather [hbm4b:s11+s3], $0x80, v4, vm0, $0xb8;
	[tilespmem:$0x10080] =	vst v63  }
0x32: {  	_ = 	snop  }
0x33: {  	[tilespmem:s31], [sflag:$0x1] =	stream.indirect_vreg.gather [hbm4b:s12+s3], $0x80, v4, vm0, $0xb8;
	[tilespmem:$0x10080] =	vst v63  }
0x34: {  	s0 =	simm.s32 $0x5080  }
0x35: {  	[tilespmem:s0], [sflag:$0x1] =	stream.indirect_vreg.gather [hbm4b:s13+s3], $0x80, v4, vm0, $0xb8;
	[tilespmem:$0x10080] =	vst v63  }
0x36: {  	s0 =	simm.s32 $0x5880  }
0x37: {  	[tilespmem:s0], [sflag:$0x1] =	stream.indirect_vreg.gather [hbm4b:s14+s3], $0x80, v4, vm0, $0xb8;
	[tilespmem:$0x10080] =	vst v63  }
0x38: {  	s0 =	simm.s32 $0x6080  }
0x39: {  	[tilespmem:s0], [sflag:$0x1] =	stream.indirect_vreg.gather [hbm4b:s15+s3], $0x80, v4, vm0, $0xb8;
	[tilespmem:$0x10080] =	vst v63  }
0x3a: {  	v3 =	vperm.xlane v3, v2;
	s0 =	simm.s32 $0x6880  }
0x3b: {  	[tilespmem:s0], [sflag:$0x1] =	stream.indirect_vreg.gather [hbm4b:s16+s3], $0x80, v4, vm0, $0xb8;
	[tilespmem:$0x10080] =	vst v63  }
0x3c: {  	v3 =	vadd.s32 v1, v3;
	s0 =	simm.s32 $0x7080  }
0x3d: {  	[tilespmem:s0], [sflag:$0x1] =	stream.indirect_vreg.gather [hbm4b:s17+s3], $0x80, v4, vm0, $0xb8;
	[tilespmem:$0x10080] =	vst v63  }
0x3e: {  	s0 =	simm.s32 $0x7880  }
0x3f: {  	[tilespmem:s0], [sflag:$0x1] =	stream.indirect_vreg.gather [hbm4b:s18+s3], $0x80, v4, vm0, $0xb8;
	[tilespmem:$0x10080] =	vst v63  }
0x40: {  	s0 =	simm.s32 $0x8080  }
0x41: {  	[tilespmem:s0], [sflag:$0x1] =	stream.indirect_vreg.gather [hbm4b:s21+s3], $0x80, v3, vm0, $0xb8;
	[tilespmem:$0x10080] =	vst v63  }
0x42: {  	s0 =	simm.s32 $0x8880  }
0x43: {  	[tilespmem:s0], [sflag:$0x1] =	stream.indirect_vreg.gather [hbm4b:s4+s3], $0x80, v3, vm0, $0xb8;
	[tilespmem:$0x10080] =	vst v63  }
0x44: {  	s0 =	simm.s32 $0x9080  }
0x45: {  	[tilespmem:s0], [sflag:$0x1] =	stream.indirect_vreg.gather [hbm4b:s5+s3], $0x80, v3, vm0, $0xb8;
	[tilespmem:$0x10080] =	vst v63  }
0x46: {  	s0 =	simm.s32 $0x9880  }
0x47: {  	[tilespmem:s0], [sflag:$0x1] =	stream.indirect_vreg.gather [hbm4b:s6+s3], $0x80, v3, vm0, $0xb8;
	[tilespmem:$0x10080] =	vst v63  }
0x48: {  	s0 =	simm.s32 $0xA080  }
0x49: {  	[tilespmem:s0], [sflag:$0x1] =	stream.indirect_vreg.gather [hbm4b:s7+s3], $0x80, v3, vm0, $0xb8;
	[tilespmem:$0x10080] =	vst v63  }
0x4a: {  	s0 =	simm.s32 $0xA880  }
0x4b: {  	[tilespmem:s0], [sflag:$0x1] =	stream.indirect_vreg.gather [hbm4b:s8+s3], $0x80, v3, vm0, $0xb8;
	[tilespmem:$0x10080] =	vst v63  }
0x4c: {  	s0 =	simm.s32 $0xB080  }
0x4d: {  	[tilespmem:s0], [sflag:$0x1] =	stream.indirect_vreg.gather [hbm4b:s9+s3], $0x80, v3, vm0, $0xb8;
	[tilespmem:$0x10080] =	vst v63  }
0x4e: {  	s0 =	simm.s32 $0xB880  }
0x4f: {  	[tilespmem:s0], [sflag:$0x1] =	stream.indirect_vreg.gather [hbm4b:s10+s3], $0x80, v3, vm0, $0xb8;
	[tilespmem:$0x10080] =	vst v63  }
0x50: {  	s0 =	simm.s32 $0xC080  }
0x51: {  	[tilespmem:s0], [sflag:$0x1] =	stream.indirect_vreg.gather [hbm4b:s11+s3], $0x80, v3, vm0, $0xb8;
	[tilespmem:$0x10080] =	vst v63  }
0x52: {  	s0 =	simm.s32 $0xC880  }
0x53: {  	[tilespmem:s0], [sflag:$0x1] =	stream.indirect_vreg.gather [hbm4b:s12+s3], $0x80, v3, vm0, $0xb8;
	[tilespmem:$0x10080] =	vst v63  }
0x54: {  	s0 =	simm.s32 $0xD080  }
0x55: {  	[tilespmem:s0], [sflag:$0x1] =	stream.indirect_vreg.gather [hbm4b:s13+s3], $0x80, v3, vm0, $0xb8;
	[tilespmem:$0x10080] =	vst v63  }
0x56: {  	s0 =	simm.s32 $0xD880  }
0x57: {  	[tilespmem:s0], [sflag:$0x1] =	stream.indirect_vreg.gather [hbm4b:s14+s3], $0x80, v3, vm0, $0xb8;
	[tilespmem:$0x10080] =	vst v63  }
0x58: {  	s0 =	simm.s32 $0xE080  }
0x59: {  	[tilespmem:s0], [sflag:$0x1] =	stream.indirect_vreg.gather [hbm4b:s15+s3], $0x80, v3, vm0, $0xb8;
	[tilespmem:$0x10080] =	vst v63  }
0x5a: {  	s0 =	simm.s32 $0xE880  }
0x5b: {  	[tilespmem:s0], [sflag:$0x1] =	stream.indirect_vreg.gather [hbm4b:s16+s3], $0x80, v3, vm0, $0xb8;
	[tilespmem:$0x10080] =	vst v63  }
0x5c: {  	s0 =	simm.s32 $0xF080  }
0x5d: {  	[tilespmem:s0], [sflag:$0x1] =	stream.indirect_vreg.gather [hbm4b:s17+s3], $0x80, v3, vm0, $0xb8;
	[tilespmem:$0x10080] =	vst v63  }
0x5e: {  	s0 =	simm.s32 $0xF880  }
0x5f: {  	[tilespmem:s0], [sflag:$0x1] =	stream.indirect_vreg.gather [hbm4b:s18+s3], $0x80, v3, vm0, $0xb8;
	[tilespmem:$0x10080] =	vst v63  }
0x60: {  	_ =	swait.ge [sflag:s1], $0x10000  }
0x61: {  	[sflag:s1] =	ssyncset.done $0x0  }
0x62: {  	s0 =	rddreg [dreg:$0x5];
	[sflag:s1] =	ssyncadd.s32 $0xFFFF0000  }
0x63: {  	[hbm4b:s0+s3] =	stream.linear.scatter [tilespmem:s2], [sflag:$0x2], $0x10000, $0x38;
	[tilespmem:$0x10080] =	vst v63  }
0x64: {  	_ =	swait.ge [sflag:s20], $0x10000  }
0x65: {  	[sflag:s20] =	ssyncset.done $0x0  }
0x66: {  	s0 =	rddreg [dreg:$0x6];
	[sflag:s20] =	ssyncadd.s32 $0xFFFF0000  }
0x67: {  	[tilespmem:s3], [sflag:$0x2] =	stream.linear.gather [hbm4b:s0+s3], $0x10, $0x38;
	[tilespmem:$0x10080] =	vst v63  }
0x68: {  	_ =	swait.ge [sflag:s20], $0x10  }
0x69: {  	[sflag:s20] =	ssyncset.done $0x0  }
0x6a: {  	[sflag:s20] =	ssyncadd.s32 $0xFFFFFFF0  }
0x6b: {  	v3 =	vld [tilespmem:$0x0];
	_ =	sdelay $0x4  }
0x6c: {  	v63 =	vshll.u32 v3, $0x5  }
0x6d: {  	v3 =	vand.u32 $0x7, v3;
	v4 =	vand.u32 $0xFFFFFF00, v63  }
0x6e: {  	v3 =	vor.u32 v3, v4  }
0x6f: {  	v4 =	vperm.xlane v3, v0;
	_ =	sdelay $0x1  }
0x70: {  	v4 =	vadd.s32 v1, v4;
	_ =	sdelay $0x4  }
0x71: {  	[tilespmem:s2], [sflag:$0x1] =	stream.indirect_vreg.gather [hbm4b:s21+s3], $0x80, v4, vm0, $0xb8;
	[tilespmem:$0x10080] =	vst v63  }
0x72: {  	_ = 	snop  }
0x73: {  	[tilespmem:s22], [sflag:$0x1] =	stream.indirect_vreg.gather [hbm4b:s4+s3], $0x80, v4, vm0, $0xb8;
	[tilespmem:$0x10080] =	vst v63  }
0x74: {  	_ = 	snop  }
0x75: {  	[tilespmem:s23], [sflag:$0x1] =	stream.indirect_vreg.gather [hbm4b:s5+s3], $0x80, v4, vm0, $0xb8;
	[tilespmem:$0x10080] =	vst v63  }
0x76: {  	_ = 	snop  }
0x77: {  	[tilespmem:s24], [sflag:$0x1] =	stream.indirect_vreg.gather [hbm4b:s6+s3], $0x80, v4, vm0, $0xb8;
	[tilespmem:$0x10080] =	vst v63  }
0x78: {  	_ = 	snop  }
0x79: {  	[tilespmem:s25], [sflag:$0x1] =	stream.indirect_vreg.gather [hbm4b:s7+s3], $0x80, v4, vm0, $0xb8;
	[tilespmem:$0x10080] =	vst v63  }
0x7a: {  	_ = 	snop  }
0x7b: {  	[tilespmem:s26], [sflag:$0x1] =	stream.indirect_vreg.gather [hbm4b:s8+s3], $0x80, v4, vm0, $0xb8;
	[tilespmem:$0x10080] =	vst v63  }
0x7c: {  	_ = 	snop  }
0x7d: {  	[tilespmem:s28], [sflag:$0x1] =	stream.indirect_vreg.gather [hbm4b:s9+s3], $0x80, v4, vm0, $0xb8;
	[tilespmem:$0x10080] =	vst v63  }
0x7e: {  	_ = 	snop  }
0x7f: {  	[tilespmem:s29], [sflag:$0x1] =	stream.indirect_vreg.gather [hbm4b:s10+s3], $0x80, v4, vm0, $0xb8;
	[tilespmem:$0x10080] =	vst v63  }
0x80: {  	_ = 	snop  }
0x81: {  	[tilespmem:s30], [sflag:$0x1] =	stream.indirect_vreg.gather [hbm4b:s11+s3], $0x80, v4, vm0, $0xb8;
	[tilespmem:$0x10080] =	vst v63  }
0x82: {  	_ = 	snop  }
0x83: {  	[tilespmem:s31], [sflag:$0x1] =	stream.indirect_vreg.gather [hbm4b:s12+s3], $0x80, v4, vm0, $0xb8;
	[tilespmem:$0x10080] =	vst v63  }
0x84: {  	s0 =	simm.s32 $0x5080  }
0x85: {  	[tilespmem:s0], [sflag:$0x1] =	stream.indirect_vreg.gather [hbm4b:s13+s3], $0x80, v4, vm0, $0xb8;
	[tilespmem:$0x10080] =	vst v63  }
0x86: {  	s0 =	simm.s32 $0x5880  }
0x87: {  	[tilespmem:s0], [sflag:$0x1] =	stream.indirect_vreg.gather [hbm4b:s14+s3], $0x80, v4, vm0, $0xb8;
	[tilespmem:$0x10080] =	vst v63  }
0x88: {  	s0 =	simm.s32 $0x6080  }
0x89: {  	[tilespmem:s0], [sflag:$0x1] =	stream.indirect_vreg.gather [hbm4b:s15+s3], $0x80, v4, vm0, $0xb8;
	[tilespmem:$0x10080] =	vst v63  }
0x8a: {  	v3 =	vperm.xlane v3, v2;
	s0 =	simm.s32 $0x6880  }
0x8b: {  	[tilespmem:s0], [sflag:$0x1] =	stream.indirect_vreg.gather [hbm4b:s16+s3], $0x80, v4, vm0, $0xb8;
	[tilespmem:$0x10080] =	vst v63  }
0x8c: {  	v3 =	vadd.s32 v1, v3;
	s0 =	simm.s32 $0x7080  }
0x8d: {  	[tilespmem:s0], [sflag:$0x1] =	stream.indirect_vreg.gather [hbm4b:s17+s3], $0x80, v4, vm0, $0xb8;
	[tilespmem:$0x10080] =	vst v63  }
0x8e: {  	s0 =	simm.s32 $0x7880  }
0x8f: {  	[tilespmem:s0], [sflag:$0x1] =	stream.indirect_vreg.gather [hbm4b:s18+s3], $0x80, v4, vm0, $0xb8;
	[tilespmem:$0x10080] =	vst v63  }
0x90: {  	s0 =	simm.s32 $0x8080  }
0x91: {  	[tilespmem:s0], [sflag:$0x1] =	stream.indirect_vreg.gather [hbm4b:s21+s3], $0x80, v3, vm0, $0xb8;
	[tilespmem:$0x10080] =	vst v63  }
0x92: {  	s21 =	simm.s32 $0x8880  }
0x93: {  	[tilespmem:s21], [sflag:$0x1] =	stream.indirect_vreg.gather [hbm4b:s4+s3], $0x80, v3, vm0, $0xb8;
	[tilespmem:$0x10080] =	vst v63  }
0x94: {  	s21 =	simm.s32 $0x9080  }
0x95: {  	[tilespmem:s21], [sflag:$0x1] =	stream.indirect_vreg.gather [hbm4b:s5+s3], $0x80, v3, vm0, $0xb8;
	[tilespmem:$0x10080] =	vst v63  }
0x96: {  	s21 =	simm.s32 $0x9880  }
0x97: {  	[tilespmem:s21], [sflag:$0x1] =	stream.indirect_vreg.gather [hbm4b:s6+s3], $0x80, v3, vm0, $0xb8;
	[tilespmem:$0x10080] =	vst v63  }
0x98: {  	s21 =	simm.s32 $0xA080  }
0x99: {  	[tilespmem:s21], [sflag:$0x1] =	stream.indirect_vreg.gather [hbm4b:s7+s3], $0x80, v3, vm0, $0xb8;
	[tilespmem:$0x10080] =	vst v63  }
0x9a: {  	s21 =	simm.s32 $0xA880  }
0x9b: {  	[tilespmem:s21], [sflag:$0x1] =	stream.indirect_vreg.gather [hbm4b:s8+s3], $0x80, v3, vm0, $0xb8;
	[tilespmem:$0x10080] =	vst v63  }
0x9c: {  	s21 =	simm.s32 $0xB080  }
0x9d: {  	[tilespmem:s21], [sflag:$0x1] =	stream.indirect_vreg.gather [hbm4b:s9+s3], $0x80, v3, vm0, $0xb8;
	[tilespmem:$0x10080] =	vst v63  }
0x9e: {  	s21 =	simm.s32 $0xB880  }
0x9f: {  	[tilespmem:s21], [sflag:$0x1] =	stream.indirect_vreg.gather [hbm4b:s10+s3], $0x80, v3, vm0, $0xb8;
	[tilespmem:$0x10080] =	vst v63  }
0xa0: {  	s21 =	simm.s32 $0xC080  }
0xa1: {  	[tilespmem:s21], [sflag:$0x1] =	stream.indirect_vreg.gather [hbm4b:s11+s3], $0x80, v3, vm0, $0xb8;
	[tilespmem:$0x10080] =	vst v63  }
0xa2: {  	s21 =	simm.s32 $0xC880  }
0xa3: {  	[tilespmem:s21], [sflag:$0x1] =	stream.indirect_vreg.gather [hbm4b:s12+s3], $0x80, v3, vm0, $0xb8;
	[tilespmem:$0x10080] =	vst v63  }
0xa4: {  	s21 =	simm.s32 $0xD080  }
0xa5: {  	[tilespmem:s21], [sflag:$0x1] =	stream.indirect_vreg.gather [hbm4b:s13+s3], $0x80, v3, vm0, $0xb8;
	[tilespmem:$0x10080] =	vst v63  }
0xa6: {  	s21 =	simm.s32 $0xD880  }
0xa7: {  	[tilespmem:s21], [sflag:$0x1] =	stream.indirect_vreg.gather [hbm4b:s14+s3], $0x80, v3, vm0, $0xb8;
	[tilespmem:$0x10080] =	vst v63  }
0xa8: {  	s21 =	simm.s32 $0xE080  }
0xa9: {  	[tilespmem:s21], [sflag:$0x1] =	stream.indirect_vreg.gather [hbm4b:s15+s3], $0x80, v3, vm0, $0xb8;
	[tilespmem:$0x10080] =	vst v63  }
0xaa: {  	s21 =	simm.s32 $0xE880  }
0xab: {  	[tilespmem:s21], [sflag:$0x1] =	stream.indirect_vreg.gather [hbm4b:s16+s3], $0x80, v3, vm0, $0xb8;
	[tilespmem:$0x10080] =	vst v63  }
0xac: {  	s21 =	simm.s32 $0xF080  }
0xad: {  	[tilespmem:s21], [sflag:$0x1] =	stream.indirect_vreg.gather [hbm4b:s17+s3], $0x80, v3, vm0, $0xb8;
	[tilespmem:$0x10080] =	vst v63  }
0xae: {  	s21 =	simm.s32 $0xF880  }
0xaf: {  	[tilespmem:s21], [sflag:$0x1] =	stream.indirect_vreg.gather [hbm4b:s18+s3], $0x80, v3, vm0, $0xb8;
	[tilespmem:$0x10080] =	vst v63  }
0xb0: {  	_ =	swait.ge [sflag:s1], $0x10000  }
0xb1: {  	p0 =	sne.s32 s19, $0x1;
	[sflag:s1] =	ssyncset.done $0x0  }
.Ltmp0:
0xb2: {  	s21 =	rddreg [dreg:$0x7];
	[sflag:s1] =	ssyncadd.s32 $0xFFFF0000;
	(pc) =	sbr.rel @p0 .LBB2_1-.Ltmp0, $4  }
0xb3: {  	[hbm4b:s21+s3] =	stream.linear.scatter [tilespmem:s2], [sflag:$0x2], $0x10000, $0x38;
	[tilespmem:$0x10080] =	vst v63  }
0xb4: {  	_ =	swait.ge [sflag:s20], $0x10000  }
0xb5: {  	[sflag:s20] =	ssyncset.done $0x0  }
0xb6: {  	s19 =	sadd.s32 $0xFFFFFFFF, s19;
	[sflag:s20] =	ssyncadd.s32 $0xFFFF0000  }
0xb7: {  	_ =	sfence.sel $0x180000  }
0xb8: {  	[bflag:$0x0] =	sbarrier.arrive $0xFFFF  }
0xb9: {  	_ =	strace $0x9000004A  }
0xba: {  	s0 =	stileid.u32;
	[bflag:$0x2] =	sbarrier.arrive $0xFFFF  }
0xbb: {  	p0 =	sne.s32 s0, $0x0;
	s0 =	rddreg [dreg:$0x3]  }
0xbc: {  	s0 =	sadd.s32 @!p0 $0x100000, s0  }
0xbd: {  	[sflag:s0] =	ssyncadd.tile.s32 @!p0 $0x1;
	_ =	shalt  }
.Lfunc_end2:
_tile_overlayer_lowered:
.L_overlay_start_2:
0xbe: {  	(tag) =	ssettag $0x2  }
0xbf: {  	s0 =	rddreg [dreg:$0x0];
	s2 =	stileid.u32  }
0xc0: {  	s1 =	rddreg [dreg:$0x1];
	p0 =	sne.s32 s2, $0x0  }
0xc1: {  	s3 =	rddreg [dreg:$0x2];
	[bflag:$0x3] =	sbarrier.arrive $0xFFFF;
	s2 =	simm.s32 @!p0 $0x1C02  }
0xc2: {  	[timem:s3], [sflag:s2] =	dma.local @!p0 [hbm:s0], s1  }
0xc3: {  	s0 =	simm.s32 @!p0 $0x2  }
0xc4: {  	_ =	swait.ge @!p0 [sflag:s0], s1  }
0xc5: {  	s1 =	ssub.s32 @!p0 $0x0, s1;
	[sflag:s0] =	ssyncset.done @!p0 $0x0  }
0xc6: {  	[sflag:s0] =	ssyncadd.s32 @!p0 s1  }
0xc7: {  	[bflag:$0x3] =	sbarrier.arrive $0xFFFF  }
0xc8: {  	_ =	shalt  }

</sc_bundles>
